<compile_context>
chip_gen: v7x
topology: tpu7x:2x2x1
jax: 0.10.2.dev20260603
libtpu: 0.0.44.dev20260713+nightly
codegen_flags: <defaults>
</compile_context>

<pallas_src>
import functools

import jax
import jax.numpy as jnp
from jax import lax
from jax.experimental import pallas as pl
from jax.experimental.pallas import tpu as pltpu
from jax.experimental.pallas import tpu_sc as plsc

R = 128
C = 32768
L = 16
NV = C // L
NC = 2
NS = 16
NW = NC * NS
RPW = R // NW


def _sort_a(v):
    return plsc.sort_key_val(v, v, descending=False)[0]


def _sort_d(v):
    return plsc.sort_key_val(v, v, descending=True)[0]


def _row_topk(buf_ref):
    neg = jnp.full((L,), -jnp.inf, dtype=jnp.float32)
    pos = jnp.full((L,), jnp.inf, dtype=jnp.float32)

    def body(i, carry):
        m0, m1, m2, m3, n0, n1, n2, n3 = carry
        v = buf_ref[pl.ds(i * L, L)]
        x = v
        m0n = jnp.maximum(m0, x); x = jnp.minimum(m0, x)
        m1n = jnp.maximum(m1, x); x = jnp.minimum(m1, x)
        m2n = jnp.maximum(m2, x); x = jnp.minimum(m2, x)
        m3n = jnp.maximum(m3, x)
        x = v
        n0n = jnp.minimum(n0, x); x = jnp.maximum(n0, x)
        n1n = jnp.minimum(n1, x); x = jnp.maximum(n1, x)
        n2n = jnp.minimum(n2, x); x = jnp.maximum(n2, x)
        n3n = jnp.minimum(n3, x)
        return (m0n, m1n, m2n, m3n, n0n, n1n, n2n, n3n)

    init = (neg, neg, neg, neg, pos, pos, pos, pos)
    m0, m1, m2, m3, n0, n1, n2, n3 = lax.fori_loop(0, NV, body, init,
                                                   unroll=8)

    u = jnp.maximum(_sort_d(m0), _sort_a(m1))
    w = jnp.maximum(_sort_d(m2), _sort_a(m3))
    t = jnp.maximum(_sort_d(u), _sort_a(w))
    top = _sort_d(t)

    u2 = jnp.minimum(_sort_a(n0), _sort_d(n1))
    w2 = jnp.minimum(_sort_a(n2), _sort_d(n3))
    t2 = jnp.minimum(_sort_a(u2), _sort_d(w2))
    bot = _sort_a(t2)

    return top + bot


_mesh = plsc.VectorSubcoreMesh(core_axis_name="c", subcore_axis_name="s")


@functools.partial(
    pl.kernel,
    mesh=_mesh,
    compiler_params=pltpu.CompilerParams(needs_layout_passes=False),
    out_type=jax.ShapeDtypeStruct((R, L), jnp.float32),
    scratch_types=[
        pltpu.VMEM((C,), jnp.float32),
        pltpu.VMEM((C,), jnp.float32),
        pltpu.VMEM((RPW, L), jnp.float32),
        pltpu.SemaphoreType.DMA,
        pltpu.SemaphoreType.DMA,
    ],
)
def _topk_sc(x_hbm, out_hbm, buf0, buf1, res, sem0, sem1):
    cid = lax.axis_index("c")
    sid = lax.axis_index("s")
    wid = sid * NC + cid
    base = wid * RPW

    bufs = (buf0, buf1)
    sems = (sem0, sem1)

    copies = [pltpu.async_copy(x_hbm.at[base], bufs[0], sems[0])]
    for r in range(RPW):
        if r + 1 < RPW:
            copies.append(
                pltpu.async_copy(x_hbm.at[base + r + 1],
                                 bufs[(r + 1) % 2], sems[(r + 1) % 2]))
        copies[r].wait()
        res[r, :] = _row_topk(bufs[r % 2])

    pltpu.sync_copy(res, out_hbm.at[pl.ds(base, RPW)])


@jax.jit
def kernel(x):
    out16 = _topk_sc(x)
    return out16[:, :4]

# --- scband reference (transcript-rebuilt; emitter-appended) ---
"""Pipeline reference for scband-my-model-79345225826687 (READ-ONLY COPY).

The authoritative reference and input builder live on the scoring server;
editing this copy changes nothing except your own understanding.
"""

import jax, jax.numpy as jnp
import numpy as np

def setup_inputs(seed: int = 0) -> dict:
    key = jax.random.key(seed)
    x = jax.random.normal(key, (128, 32768), dtype=jnp.float32)
    return {"x": x}

def reference(x):
    # torch.topk(x, 4): largest 4, sorted descending
    largest_vals, _ = jax.lax.top_k(x, 4)
    # torch.topk(x, 4, largest=False): smallest 4, sorted ascending
    neg_vals, _ = jax.lax.top_k(-x, 4)
    smallest_vals = -neg_vals
    return largest_vals + smallest_vals

if __name__ == "__main__":
    import jax
    _d = setup_inputs()
    print(jax.jit(kernel)(*tuple(_d.values())))

</pallas_src>

<mosaic_0001>
#map = affine_map<(d0, d1) -> (0, 0)>
module attributes {stable_mosaic.version = 14 : i64} {
  func.func @_topk_sc(%arg0: i32, %arg1: i32, %arg2: memref<128x32768xf32, #tpu.memory_space<hbm>>, %arg3: memref<128x16xf32, #tpu.memory_space<hbm>>, %arg4: memref<32768xf32, #tpu.memory_space<vmem>>, %arg5: memref<32768xf32, #tpu.memory_space<vmem>>, %arg6: memref<4x16xf32, #tpu.memory_space<vmem>>, %arg7: memref<!tpu.dma_semaphore, #tpu.memory_space<semaphore_mem>>, %arg8: memref<!tpu.dma_semaphore, #tpu.memory_space<semaphore_mem>>) attributes {dimension_semantics = [#tpu.dimension_semantics<core_parallel>, #tpu.dimension_semantics<subcore_parallel>], iteration_bounds = array<i64: 2, 16>, scalar_prefetch = 0 : i64, scratch_operands = 5 : i64, tpu.core_type = #tpu.core_type<sc_vector_subcore>, window_params = [{transform_indices = #map}, {transform_indices = #map}]} {
    %mul3A = arith.constant 2 : i32
    %mul3A_0 = arith.muli %arg1, %mul3A : i32
    %add3A = arith.addi %mul3A_0, %arg0 : i32
    %mul3A_1 = arith.constant 4 : i32
    %mul3A_2 = arith.muli %add3A, %mul3A_1 : i32
    %dma_start3A = arith.constant 0 : i32
    %dma_start3A_3 = tpu.memref_slice %arg2[%mul3A_2, %dma_start3A] : memref<128x32768xf32, #tpu.memory_space<hbm>> -> memref<1x32768xf32, #tpu.memory_space<hbm>>
    %dma_start3A_4 = tpu.memref_squeeze %dma_start3A_3 : memref<1x32768xf32, #tpu.memory_space<hbm>> -> memref<32768xf32, #tpu.memory_space<hbm>>
    %dma_start3A_5 = arith.constant 0 : i32
    %dma_start3A_6 = tpu.memref_slice %arg2[%mul3A_2, %dma_start3A_5] : memref<128x32768xf32, #tpu.memory_space<hbm>> -> memref<1x32768xf32, #tpu.memory_space<hbm>>
    %dma_start3A_7 = tpu.memref_squeeze %dma_start3A_6 : memref<1x32768xf32, #tpu.memory_space<hbm>> -> memref<32768xf32, #tpu.memory_space<hbm>>
    tpu.enqueue_dma source(%dma_start3A_7 : memref<32768xf32, #tpu.memory_space<hbm>>) target(%arg4 : memref<32768xf32, #tpu.memory_space<vmem>>) target_semaphore(%arg7 : memref<!tpu.dma_semaphore, #tpu.memory_space<semaphore_mem>>)
    %add3A_8 = arith.constant 0 : i32
    %add3A_9 = arith.addi %mul3A_2, %add3A_8 : i32
    %add3A_10 = arith.constant 1 : i32
    %add3A_11 = arith.addi %add3A_9, %add3A_10 : i32
    %dma_start3A_12 = arith.constant 0 : i32
    %dma_start3A_13 = tpu.memref_slice %arg2[%add3A_11, %dma_start3A_12] : memref<128x32768xf32, #tpu.memory_space<hbm>> -> memref<1x32768xf32, #tpu.memory_space<hbm>>
    %dma_start3A_14 = tpu.memref_squeeze %dma_start3A_13 : memref<1x32768xf32, #tpu.memory_space<hbm>> -> memref<32768xf32, #tpu.memory_space<hbm>>
    %dma_start3A_15 = arith.constant 0 : i32
    %dma_start3A_16 = tpu.memref_slice %arg2[%add3A_11, %dma_start3A_15] : memref<128x32768xf32, #tpu.memory_space<hbm>> -> memref<1x32768xf32, #tpu.memory_space<hbm>>
    %dma_start3A_17 = tpu.memref_squeeze %dma_start3A_16 : memref<1x32768xf32, #tpu.memory_space<hbm>> -> memref<32768xf32, #tpu.memory_space<hbm>>
    tpu.enqueue_dma source(%dma_start3A_17 : memref<32768xf32, #tpu.memory_space<hbm>>) target(%arg5 : memref<32768xf32, #tpu.memory_space<vmem>>) target_semaphore(%arg8 : memref<!tpu.dma_semaphore, #tpu.memory_space<semaphore_mem>>)
    %dma_wait3A = arith.constant 0 : i32
    %dma_wait3A_18 = tpu.memref_slice %arg2[%mul3A_2, %dma_wait3A] : memref<128x32768xf32, #tpu.memory_space<hbm>> -> memref<1x32768xf32, #tpu.memory_space<hbm>>
    %dma_wait3A_19 = tpu.memref_squeeze %dma_wait3A_18 : memref<1x32768xf32, #tpu.memory_space<hbm>> -> memref<32768xf32, #tpu.memory_space<hbm>>
    %dma_wait3A_20 = arith.constant 0 : i32
    %dma_wait3A_21 = tpu.memref_slice %arg2[%mul3A_2, %dma_wait3A_20] : memref<128x32768xf32, #tpu.memory_space<hbm>> -> memref<1x32768xf32, #tpu.memory_space<hbm>>
    %dma_wait3A_22 = tpu.memref_squeeze %dma_wait3A_21 : memref<1x32768xf32, #tpu.memory_space<hbm>> -> memref<32768xf32, #tpu.memory_space<hbm>>
    tpu.wait_dma2 semaphore(%arg7 : memref<!tpu.dma_semaphore, #tpu.memory_space<semaphore_mem>>) src(%dma_wait3A_22 : memref<32768xf32, #tpu.memory_space<hbm>>) dst(%arg4 : memref<32768xf32, #tpu.memory_space<vmem>>)
    %broadcast_in_dim3A = arith.constant 0xFF800000 : f32
    %broadcast_in_dim3A_23 = vector.broadcast %broadcast_in_dim3A : f32 to vector<16xf32>
    %broadcast_in_dim3A_24 = arith.constant 0x7F800000 : f32
    %broadcast_in_dim3A_25 = vector.broadcast %broadcast_in_dim3A_24 : f32 to vector<16xf32>
    %scan3A = arith.constant 0 : i32
    %scan3A_26 = arith.constant 2048 : i32
    %scan3A_27 = arith.addi %scan3A, %scan3A_26 : i32
    %scan3A_28 = arith.constant 8 : i32
    %scan3A_29:8 = scf.for %scan3A_363 = %scan3A to %scan3A_27 step %scan3A_28 iter_args(%scan3A_364 = %broadcast_in_dim3A_23, %scan3A_365 = %broadcast_in_dim3A_23, %scan3A_366 = %broadcast_in_dim3A_23, %scan3A_367 = %broadcast_in_dim3A_23, %scan3A_368 = %broadcast_in_dim3A_25, %scan3A_369 = %broadcast_in_dim3A_25, %scan3A_370 = %broadcast_in_dim3A_25, %scan3A_371 = %broadcast_in_dim3A_25) -> (vector<16xf32>, vector<16xf32>, vector<16xf32>, vector<16xf32>, vector<16xf32>, vector<16xf32>, vector<16xf32>, vector<16xf32>)  : i32 {
      %mul3A_372 = arith.constant 16 : i32
      %mul3A_373 = arith.muli %scan3A_363, %mul3A_372 : i32
      %get3A = arith.index_cast %mul3A_373 : i32 to index
      %get3A_374 = tpu.vector_load %arg4[%get3A] {strides = array<i32>} : memref<32768xf32, #tpu.memory_space<vmem>>, vector<16xf32>,
      %max3A_375 = arith.maximumf %scan3A_364, %get3A_374 : vector<16xf32>
      %min3A_376 = arith.minimumf %scan3A_364, %get3A_374 : vector<16xf32>
      %max3A_377 = arith.maximumf %scan3A_365, %min3A_376 : vector<16xf32>
      %min3A_378 = arith.minimumf %scan3A_365, %min3A_376 : vector<16xf32>
      %max3A_379 = arith.maximumf %scan3A_366, %min3A_378 : vector<16xf32>
      %min3A_380 = arith.minimumf %scan3A_366, %min3A_378 : vector<16xf32>
      %max3A_381 = arith.maximumf %scan3A_367, %min3A_380 : vector<16xf32>
      %min3A_382 = arith.minimumf %scan3A_368, %get3A_374 : vector<16xf32>
      %max3A_383 = arith.maximumf %scan3A_368, %get3A_374 : vector<16xf32>
      %min3A_384 = arith.minimumf %scan3A_369, %max3A_383 : vector<16xf32>
      %max3A_385 = arith.maximumf %scan3A_369, %max3A_383 : vector<16xf32>
      %min3A_386 = arith.minimumf %scan3A_370, %max3A_385 : vector<16xf32>
      %max3A_387 = arith.maximumf %scan3A_370, %max3A_385 : vector<16xf32>
      %min3A_388 = arith.minimumf %scan3A_371, %max3A_387 : vector<16xf32>
      %scan3A_389 = arith.constant 1 : i32
      %scan3A_390 = arith.addi %scan3A_363, %scan3A_389 : i32
      %mul3A_391 = arith.constant 16 : i32
      %mul3A_392 = arith.muli %scan3A_390, %mul3A_391 : i32
      %get3A_393 = arith.index_cast %mul3A_392 : i32 to index
      %get3A_394 = tpu.vector_load %arg4[%get3A_393] {strides = array<i32>} : memref<32768xf32, #tpu.memory_space<vmem>>, vector<16xf32>,
      %max3A_395 = arith.maximumf %max3A_375, %get3A_394 : vector<16xf32>
      %min3A_396 = arith.minimumf %max3A_375, %get3A_394 : vector<16xf32>
      %max3A_397 = arith.maximumf %max3A_377, %min3A_396 : vector<16xf32>
      %min3A_398 = arith.minimumf %max3A_377, %min3A_396 : vector<16xf32>
      %max3A_399 = arith.maximumf %max3A_379, %min3A_398 : vector<16xf32>
      %min3A_400 = arith.minimumf %max3A_379, %min3A_398 : vector<16xf32>
      %max3A_401 = arith.maximumf %max3A_381, %min3A_400 : vector<16xf32>
      %min3A_402 = arith.minimumf %min3A_382, %get3A_394 : vector<16xf32>
      %max3A_403 = arith.maximumf %min3A_382, %get3A_394 : vector<16xf32>
      %min3A_404 = arith.minimumf %min3A_384, %max3A_403 : vector<16xf32>
      %max3A_405 = arith.maximumf %min3A_384, %max3A_403 : vector<16xf32>
      %min3A_406 = arith.minimumf %min3A_386, %max3A_405 : vector<16xf32>
      %max3A_407 = arith.maximumf %min3A_386, %max3A_405 : vector<16xf32>
      %min3A_408 = arith.minimumf %min3A_388, %max3A_407 : vector<16xf32>
      %scan3A_409 = arith.constant 2 : i32
      %scan3A_410 = arith.addi %scan3A_363, %scan3A_409 : i32
      %mul3A_411 = arith.constant 16 : i32
      %mul3A_412 = arith.muli %scan3A_410, %mul3A_411 : i32
      %get3A_413 = arith.index_cast %mul3A_412 : i32 to index
      %get3A_414 = tpu.vector_load %arg4[%get3A_413] {strides = array<i32>} : memref<32768xf32, #tpu.memory_space<vmem>>, vector<16xf32>,
      %max3A_415 = arith.maximumf %max3A_395, %get3A_414 : vector<16xf32>
      %min3A_416 = arith.minimumf %max3A_395, %get3A_414 : vector<16xf32>
      %max3A_417 = arith.maximumf %max3A_397, %min3A_416 : vector<16xf32>
      %min3A_418 = arith.minimumf %max3A_397, %min3A_416 : vector<16xf32>
      %max3A_419 = arith.maximumf %max3A_399, %min3A_418 : vector<16xf32>
      %min3A_420 = arith.minimumf %max3A_399, %min3A_418 : vector<16xf32>
      %max3A_421 = arith.maximumf %max3A_401, %min3A_420 : vector<16xf32>
      %min3A_422 = arith.minimumf %min3A_402, %get3A_414 : vector<16xf32>
      %max3A_423 = arith.maximumf %min3A_402, %get3A_414 : vector<16xf32>
      %min3A_424 = arith.minimumf %min3A_404, %max3A_423 : vector<16xf32>
      %max3A_425 = arith.maximumf %min3A_404, %max3A_423 : vector<16xf32>
      %min3A_426 = arith.minimumf %min3A_406, %max3A_425 : vector<16xf32>
      %max3A_427 = arith.maximumf %min3A_406, %max3A_425 : vector<16xf32>
      %min3A_428 = arith.minimumf %min3A_408, %max3A_427 : vector<16xf32>
      %scan3A_429 = arith.constant 3 : i32
      %scan3A_430 = arith.addi %scan3A_363, %scan3A_429 : i32
      %mul3A_431 = arith.constant 16 : i32
      %mul3A_432 = arith.muli %scan3A_430, %mul3A_431 : i32
      %get3A_433 = arith.index_cast %mul3A_432 : i32 to index
      %get3A_434 = tpu.vector_load %arg4[%get3A_433] {strides = array<i32>} : memref<32768xf32, #tpu.memory_space<vmem>>, vector<16xf32>,
      %max3A_435 = arith.maximumf %max3A_415, %get3A_434 : vector<16xf32>
      %min3A_436 = arith.minimumf %max3A_415, %get3A_434 : vector<16xf32>
      %max3A_437 = arith.maximumf %max3A_417, %min3A_436 : vector<16xf32>
      %min3A_438 = arith.minimumf %max3A_417, %min3A_436 : vector<16xf32>
      %max3A_439 = arith.maximumf %max3A_419, %min3A_438 : vector<16xf32>
      %min3A_440 = arith.minimumf %max3A_419, %min3A_438 : vector<16xf32>
      %max3A_441 = arith.maximumf %max3A_421, %min3A_440 : vector<16xf32>
      %min3A_442 = arith.minimumf %min3A_422, %get3A_434 : vector<16xf32>
      %max3A_443 = arith.maximumf %min3A_422, %get3A_434 : vector<16xf32>
      %min3A_444 = arith.minimumf %min3A_424, %max3A_443 : vector<16xf32>
      %max3A_445 = arith.maximumf %min3A_424, %max3A_443 : vector<16xf32>
      %min3A_446 = arith.minimumf %min3A_426, %max3A_445 : vector<16xf32>
      %max3A_447 = arith.maximumf %min3A_426, %max3A_445 : vector<16xf32>
      %min3A_448 = arith.minimumf %min3A_428, %max3A_447 : vector<16xf32>
      %scan3A_449 = arith.constant 4 : i32
      %scan3A_450 = arith.addi %scan3A_363, %scan3A_449 : i32
      %mul3A_451 = arith.constant 16 : i32
      %mul3A_452 = arith.muli %scan3A_450, %mul3A_451 : i32
      %get3A_453 = arith.index_cast %mul3A_452 : i32 to index
      %get3A_454 = tpu.vector_load %arg4[%get3A_453] {strides = array<i32>} : memref<32768xf32, #tpu.memory_space<vmem>>, vector<16xf32>,
      %max3A_455 = arith.maximumf %max3A_435, %get3A_454 : vector<16xf32>
      %min3A_456 = arith.minimumf %max3A_435, %get3A_454 : vector<16xf32>
      %max3A_457 = arith.maximumf %max3A_437, %min3A_456 : vector<16xf32>
      %min3A_458 = arith.minimumf %max3A_437, %min3A_456 : vector<16xf32>
      %max3A_459 = arith.maximumf %max3A_439, %min3A_458 : vector<16xf32>
      %min3A_460 = arith.minimumf %max3A_439, %min3A_458 : vector<16xf32>
      %max3A_461 = arith.maximumf %max3A_441, %min3A_460 : vector<16xf32>
      %min3A_462 = arith.minimumf %min3A_442, %get3A_454 : vector<16xf32>
      %max3A_463 = arith.maximumf %min3A_442, %get3A_454 : vector<16xf32>
      %min3A_464 = arith.minimumf %min3A_444, %max3A_463 : vector<16xf32>
      %max3A_465 = arith.maximumf %min3A_444, %max3A_463 : vector<16xf32>
      %min3A_466 = arith.minimumf %min3A_446, %max3A_465 : vector<16xf32>
      %max3A_467 = arith.maximumf %min3A_446, %max3A_465 : vector<16xf32>
      %min3A_468 = arith.minimumf %min3A_448, %max3A_467 : vector<16xf32>
      %scan3A_469 = arith.constant 5 : i32
      %scan3A_470 = arith.addi %scan3A_363, %scan3A_469 : i32
      %mul3A_471 = arith.constant 16 : i32
      %mul3A_472 = arith.muli %scan3A_470, %mul3A_471 : i32
      %get3A_473 = arith.index_cast %mul3A_472 : i32 to index
      %get3A_474 = tpu.vector_load %arg4[%get3A_473] {strides = array<i32>} : memref<32768xf32, #tpu.memory_space<vmem>>, vector<16xf32>,
      %max3A_475 = arith.maximumf %max3A_455, %get3A_474 : vector<16xf32>
      %min3A_476 = arith.minimumf %max3A_455, %get3A_474 : vector<16xf32>
      %max3A_477 = arith.maximumf %max3A_457, %min3A_476 : vector<16xf32>
      %min3A_478 = arith.minimumf %max3A_457, %min3A_476 : vector<16xf32>
      %max3A_479 = arith.maximumf %max3A_459, %min3A_478 : vector<16xf32>
      %min3A_480 = arith.minimumf %max3A_459, %min3A_478 : vector<16xf32>
      %max3A_481 = arith.maximumf %max3A_461, %min3A_480 : vector<16xf32>
      %min3A_482 = arith.minimumf %min3A_462, %get3A_474 : vector<16xf32>
      %max3A_483 = arith.maximumf %min3A_462, %get3A_474 : vector<16xf32>
      %min3A_484 = arith.minimumf %min3A_464, %max3A_483 : vector<16xf32>
      %max3A_485 = arith.maximumf %min3A_464, %max3A_483 : vector<16xf32>
      %min3A_486 = arith.minimumf %min3A_466, %max3A_485 : vector<16xf32>
      %max3A_487 = arith.maximumf %min3A_466, %max3A_485 : vector<16xf32>
      %min3A_488 = arith.minimumf %min3A_468, %max3A_487 : vector<16xf32>
      %scan3A_489 = arith.constant 6 : i32
      %scan3A_490 = arith.addi %scan3A_363, %scan3A_489 : i32
      %mul3A_491 = arith.constant 16 : i32
      %mul3A_492 = arith.muli %scan3A_490, %mul3A_491 : i32
      %get3A_493 = arith.index_cast %mul3A_492 : i32 to index
      %get3A_494 = tpu.vector_load %arg4[%get3A_493] {strides = array<i32>} : memref<32768xf32, #tpu.memory_space<vmem>>, vector<16xf32>,
      %max3A_495 = arith.maximumf %max3A_475, %get3A_494 : vector<16xf32>
      %min3A_496 = arith.minimumf %max3A_475, %get3A_494 : vector<16xf32>
      %max3A_497 = arith.maximumf %max3A_477, %min3A_496 : vector<16xf32>
      %min3A_498 = arith.minimumf %max3A_477, %min3A_496 : vector<16xf32>
      %max3A_499 = arith.maximumf %max3A_479, %min3A_498 : vector<16xf32>
      %min3A_500 = arith.minimumf %max3A_479, %min3A_498 : vector<16xf32>
      %max3A_501 = arith.maximumf %max3A_481, %min3A_500 : vector<16xf32>
      %min3A_502 = arith.minimumf %min3A_482, %get3A_494 : vector<16xf32>
      %max3A_503 = arith.maximumf %min3A_482, %get3A_494 : vector<16xf32>
      %min3A_504 = arith.minimumf %min3A_484, %max3A_503 : vector<16xf32>
      %max3A_505 = arith.maximumf %min3A_484, %max3A_503 : vector<16xf32>
      %min3A_506 = arith.minimumf %min3A_486, %max3A_505 : vector<16xf32>
      %max3A_507 = arith.maximumf %min3A_486, %max3A_505 : vector<16xf32>
      %min3A_508 = arith.minimumf %min3A_488, %max3A_507 : vector<16xf32>
      %scan3A_509 = arith.constant 7 : i32
      %scan3A_510 = arith.addi %scan3A_363, %scan3A_509 : i32
      %mul3A_511 = arith.constant 16 : i32
      %mul3A_512 = arith.muli %scan3A_510, %mul3A_511 : i32
      %get3A_513 = arith.index_cast %mul3A_512 : i32 to index
      %get3A_514 = tpu.vector_load %arg4[%get3A_513] {strides = array<i32>} : memref<32768xf32, #tpu.memory_space<vmem>>, vector<16xf32>,
      %max3A_515 = arith.maximumf %max3A_495, %get3A_514 : vector<16xf32>
      %min3A_516 = arith.minimumf %max3A_495, %get3A_514 : vector<16xf32>
      %max3A_517 = arith.maximumf %max3A_497, %min3A_516 : vector<16xf32>
      %min3A_518 = arith.minimumf %max3A_497, %min3A_516 : vector<16xf32>
      %max3A_519 = arith.maximumf %max3A_499, %min3A_518 : vector<16xf32>
      %min3A_520 = arith.minimumf %max3A_499, %min3A_518 : vector<16xf32>
      %max3A_521 = arith.maximumf %max3A_501, %min3A_520 : vector<16xf32>
      %min3A_522 = arith.minimumf %min3A_502, %get3A_514 : vector<16xf32>
      %max3A_523 = arith.maximumf %min3A_502, %get3A_514 : vector<16xf32>
      %min3A_524 = arith.minimumf %min3A_504, %max3A_523 : vector<16xf32>
      %max3A_525 = arith.maximumf %min3A_504, %max3A_523 : vector<16xf32>
      %min3A_526 = arith.minimumf %min3A_506, %max3A_525 : vector<16xf32>
      %max3A_527 = arith.maximumf %min3A_506, %max3A_525 : vector<16xf32>
      %min3A_528 = arith.minimumf %min3A_508, %max3A_527 : vector<16xf32>
      scf.yield %max3A_515, %max3A_517, %max3A_519, %max3A_521, %min3A_522, %min3A_524, %min3A_526, %min3A_528 : vector<16xf32>, vector<16xf32>, vector<16xf32>, vector<16xf32>, vector<16xf32>, vector<16xf32>, vector<16xf32>, vector<16xf32>
    }
    %scan3A_30 = arith.constant 2048 : i32
    %masked_sort3A = arith.constant dense<true> : vector<16xi1>
    %masked_sort3A_31, %masked_sort3A_32, %masked_sort3A_33 = tpu.sort %scan3A_29#0, %scan3A_29#0 masked %masked_sort3A {descending = true} : (vector<16xf32>, vector<16xf32>, vector<16xi1>) -> (vector<16xi1>, vector<16xf32>, vector<16xf32>)
    %masked_sort3A_34 = arith.constant dense<true> : vector<16xi1>
    %masked_sort3A_35, %masked_sort3A_36, %masked_sort3A_37 = tpu.sort %scan3A_29#1, %scan3A_29#1 masked %masked_sort3A_34 : (vector<16xf32>, vector<16xf32>, vector<16xi1>) -> (vector<16xi1>, vector<16xf32>, vector<16xf32>)
    %max3A = arith.maximumf %masked_sort3A_32, %masked_sort3A_36 : vector<16xf32>
    %masked_sort3A_38 = arith.constant dense<true> : vector<16xi1>
    %masked_sort3A_39, %masked_sort3A_40, %masked_sort3A_41 = tpu.sort %scan3A_29#2, %scan3A_29#2 masked %masked_sort3A_38 {descending = true} : (vector<16xf32>, vector<16xf32>, vector<16xi1>) -> (vector<16xi1>, vector<16xf32>, vector<16xf32>)
    %masked_sort3A_42 = arith.constant dense<true> : vector<16xi1>
    %masked_sort3A_43, %masked_sort3A_44, %masked_sort3A_45 = tpu.sort %scan3A_29#3, %scan3A_29#3 masked %masked_sort3A_42 : (vector<16xf32>, vector<16xf32>, vector<16xi1>) -> (vector<16xi1>, vector<16xf32>, vector<16xf32>)
    %max3A_46 = arith.maximumf %masked_sort3A_40, %masked_sort3A_44 : vector<16xf32>
    %masked_sort3A_47 = arith.constant dense<true> : vector<16xi1>
    %masked_sort3A_48, %masked_sort3A_49, %masked_sort3A_50 = tpu.sort %max3A, %max3A masked %masked_sort3A_47 {descending = true} : (vector<16xf32>, vector<16xf32>, vector<16xi1>) -> (vector<16xi1>, vector<16xf32>, vector<16xf32>)
    %masked_sort3A_51 = arith.constant dense<true> : vector<16xi1>
    %masked_sort3A_52, %masked_sort3A_53, %masked_sort3A_54 = tpu.sort %max3A_46, %max3A_46 masked %masked_sort3A_51 : (vector<16xf32>, vector<16xf32>, vector<16xi1>) -> (vector<16xi1>, vector<16xf32>, vector<16xf32>)
    %max3A_55 = arith.maximumf %masked_sort3A_49, %masked_sort3A_53 : vector<16xf32>
    %masked_sort3A_56 = arith.constant dense<true> : vector<16xi1>
    %masked_sort3A_57, %masked_sort3A_58, %masked_sort3A_59 = tpu.sort %max3A_55, %max3A_55 masked %masked_sort3A_56 {descending = true} : (vector<16xf32>, vector<16xf32>, vector<16xi1>) -> (vector<16xi1>, vector<16xf32>, vector<16xf32>)
    %masked_sort3A_60 = arith.constant dense<true> : vector<16xi1>
    %masked_sort3A_61, %masked_sort3A_62, %masked_sort3A_63 = tpu.sort %scan3A_29#4, %scan3A_29#4 masked %masked_sort3A_60 : (vector<16xf32>, vector<16xf32>, vector<16xi1>) -> (vector<16xi1>, vector<16xf32>, vector<16xf32>)
    %masked_sort3A_64 = arith.constant dense<true> : vector<16xi1>
    %masked_sort3A_65, %masked_sort3A_66, %masked_sort3A_67 = tpu.sort %scan3A_29#5, %scan3A_29#5 masked %masked_sort3A_64 {descending = true} : (vector<16xf32>, vector<16xf32>, vector<16xi1>) -> (vector<16xi1>, vector<16xf32>, vector<16xf32>)
    %min3A = arith.minimumf %masked_sort3A_62, %masked_sort3A_66 : vector<16xf32>
    %masked_sort3A_68 = arith.constant dense<true> : vector<16xi1>
    %masked_sort3A_69, %masked_sort3A_70, %masked_sort3A_71 = tpu.sort %scan3A_29#6, %scan3A_29#6 masked %masked_sort3A_68 : (vector<16xf32>, vector<16xf32>, vector<16xi1>) -> (vector<16xi1>, vector<16xf32>, vector<16xf32>)
    %masked_sort3A_72 = arith.constant dense<true> : vector<16xi1>
    %masked_sort3A_73, %masked_sort3A_74, %masked_sort3A_75 = tpu.sort %scan3A_29#7, %scan3A_29#7 masked %masked_sort3A_72 {descending = true} : (vector<16xf32>, vector<16xf32>, vector<16xi1>) -> (vector<16xi1>, vector<16xf32>, vector<16xf32>)
    %min3A_76 = arith.minimumf %masked_sort3A_70, %masked_sort3A_74 : vector<16xf32>
    %masked_sort3A_77 = arith.constant dense<true> : vector<16xi1>
    %masked_sort3A_78, %masked_sort3A_79, %masked_sort3A_80 = tpu.sort %min3A, %min3A masked %masked_sort3A_77 : (vector<16xf32>, vector<16xf32>, vector<16xi1>) -> (vector<16xi1>, vector<16xf32>, vector<16xf32>)
    %masked_sort3A_81 = arith.constant dense<true> : vector<16xi1>
    %masked_sort3A_82, %masked_sort3A_83, %masked_sort3A_84 = tpu.sort %min3A_76, %min3A_76 masked %masked_sort3A_81 {descending = true} : (vector<16xf32>, vector<16xf32>, vector<16xi1>) -> (vector<16xi1>, vector<16xf32>, vector<16xf32>)
    %min3A_85 = arith.minimumf %masked_sort3A_79, %masked_sort3A_83 : vector<16xf32>
    %masked_sort3A_86 = arith.constant dense<true> : vector<16xi1>
    %masked_sort3A_87, %masked_sort3A_88, %masked_sort3A_89 = tpu.sort %min3A_85, %min3A_85 masked %masked_sort3A_86 : (vector<16xf32>, vector<16xf32>, vector<16xi1>) -> (vector<16xi1>, vector<16xf32>, vector<16xf32>)
    %add3A_90 = arith.addf %masked_sort3A_58, %masked_sort3A_88 : vector<16xf32>
    %swap3A = arith.constant 0 : i32
    %swap3A_91 = arith.index_cast %swap3A : i32 to index
    %swap3A_92 = arith.constant 0 : index
    %swap3A_93 = tpu.vector_load %arg6[%swap3A_91, %swap3A_92] {strides = array<i32>} : memref<4x16xf32, #tpu.memory_space<vmem>>, vector<16xf32>,
    tpu.vector_store %arg6[%swap3A_91, %swap3A_92], %add3A_90 {strides = array<i32>} : memref<4x16xf32, #tpu.memory_space<vmem>>, vector<16xf32>,
    %add3A_94 = arith.constant 1 : i32
    %add3A_95 = arith.addi %mul3A_2, %add3A_94 : i32
    %add3A_96 = arith.constant 1 : i32
    %add3A_97 = arith.addi %add3A_95, %add3A_96 : i32
    %dma_start3A_98 = arith.constant 0 : i32
    %dma_start3A_99 = tpu.memref_slice %arg2[%add3A_97, %dma_start3A_98] : memref<128x32768xf32, #tpu.memory_space<hbm>> -> memref<1x32768xf32, #tpu.memory_space<hbm>>
    %dma_start3A_100 = tpu.memref_squeeze %dma_start3A_99 : memref<1x32768xf32, #tpu.memory_space<hbm>> -> memref<32768xf32, #tpu.memory_space<hbm>>
    %dma_start3A_101 = arith.constant 0 : i32
    %dma_start3A_102 = tpu.memref_slice %arg2[%add3A_97, %dma_start3A_101] : memref<128x32768xf32, #tpu.memory_space<hbm>> -> memref<1x32768xf32, #tpu.memory_space<hbm>>
    %dma_start3A_103 = tpu.memref_squeeze %dma_start3A_102 : memref<1x32768xf32, #tpu.memory_space<hbm>> -> memref<32768xf32, #tpu.memory_space<hbm>>
    tpu.enqueue_dma source(%dma_start3A_103 : memref<32768xf32, #tpu.memory_space<hbm>>) target(%arg4 : memref<32768xf32, #tpu.memory_space<vmem>>) target_semaphore(%arg7 : memref<!tpu.dma_semaphore, #tpu.memory_space<semaphore_mem>>)
    %dma_wait3A_104 = arith.constant 0 : i32
    %dma_wait3A_105 = tpu.memref_slice %arg2[%add3A_11, %dma_wait3A_104] : memref<128x32768xf32, #tpu.memory_space<hbm>> -> memref<1x32768xf32, #tpu.memory_space<hbm>>
    %dma_wait3A_106 = tpu.memref_squeeze %dma_wait3A_105 : memref<1x32768xf32, #tpu.memory_space<hbm>> -> memref<32768xf32, #tpu.memory_space<hbm>>
    %dma_wait3A_107 = arith.constant 0 : i32
    %dma_wait3A_108 = tpu.memref_slice %arg2[%add3A_11, %dma_wait3A_107] : memref<128x32768xf32, #tpu.memory_space<hbm>> -> memref<1x32768xf32, #tpu.memory_space<hbm>>
    %dma_wait3A_109 = tpu.memref_squeeze %dma_wait3A_108 : memref<1x32768xf32, #tpu.memory_space<hbm>> -> memref<32768xf32, #tpu.memory_space<hbm>>
    tpu.wait_dma2 semaphore(%arg8 : memref<!tpu.dma_semaphore, #tpu.memory_space<semaphore_mem>>) src(%dma_wait3A_109 : memref<32768xf32, #tpu.memory_space<hbm>>) dst(%arg5 : memref<32768xf32, #tpu.memory_space<vmem>>)
    %broadcast_in_dim3A_110 = arith.constant 0xFF800000 : f32
    %broadcast_in_dim3A_111 = vector.broadcast %broadcast_in_dim3A_110 : f32 to vector<16xf32>
    %broadcast_in_dim3A_112 = arith.constant 0x7F800000 : f32
    %broadcast_in_dim3A_113 = vector.broadcast %broadcast_in_dim3A_112 : f32 to vector<16xf32>
    %scan3A_114 = arith.constant 0 : i32
    %scan3A_115 = arith.constant 2048 : i32
    %scan3A_116 = arith.addi %scan3A_114, %scan3A_115 : i32
    %scan3A_117 = arith.constant 8 : i32
    %scan3A_118:8 = scf.for %scan3A_363 = %scan3A_114 to %scan3A_116 step %scan3A_117 iter_args(%scan3A_364 = %broadcast_in_dim3A_111, %scan3A_365 = %broadcast_in_dim3A_111, %scan3A_366 = %broadcast_in_dim3A_111, %scan3A_367 = %broadcast_in_dim3A_111, %scan3A_368 = %broadcast_in_dim3A_113, %scan3A_369 = %broadcast_in_dim3A_113, %scan3A_370 = %broadcast_in_dim3A_113, %scan3A_371 = %broadcast_in_dim3A_113) -> (vector<16xf32>, vector<16xf32>, vector<16xf32>, vector<16xf32>, vector<16xf32>, vector<16xf32>, vector<16xf32>, vector<16xf32>)  : i32 {
      %mul3A_372 = arith.constant 16 : i32
      %mul3A_373 = arith.muli %scan3A_363, %mul3A_372 : i32
      %get3A = arith.index_cast %mul3A_373 : i32 to index
      %get3A_374 = tpu.vector_load %arg5[%get3A] {strides = array<i32>} : memref<32768xf32, #tpu.memory_space<vmem>>, vector<16xf32>,
      %max3A_375 = arith.maximumf %scan3A_364, %get3A_374 : vector<16xf32>
      %min3A_376 = arith.minimumf %scan3A_364, %get3A_374 : vector<16xf32>
      %max3A_377 = arith.maximumf %scan3A_365, %min3A_376 : vector<16xf32>
      %min3A_378 = arith.minimumf %scan3A_365, %min3A_376 : vector<16xf32>
      %max3A_379 = arith.maximumf %scan3A_366, %min3A_378 : vector<16xf32>
      %min3A_380 = arith.minimumf %scan3A_366, %min3A_378 : vector<16xf32>
      %max3A_381 = arith.maximumf %scan3A_367, %min3A_380 : vector<16xf32>
      %min3A_382 = arith.minimumf %scan3A_368, %get3A_374 : vector<16xf32>
      %max3A_383 = arith.maximumf %scan3A_368, %get3A_374 : vector<16xf32>
      %min3A_384 = arith.minimumf %scan3A_369, %max3A_383 : vector<16xf32>
      %max3A_385 = arith.maximumf %scan3A_369, %max3A_383 : vector<16xf32>
      %min3A_386 = arith.minimumf %scan3A_370, %max3A_385 : vector<16xf32>
      %max3A_387 = arith.maximumf %scan3A_370, %max3A_385 : vector<16xf32>
      %min3A_388 = arith.minimumf %scan3A_371, %max3A_387 : vector<16xf32>
      %scan3A_389 = arith.constant 1 : i32
      %scan3A_390 = arith.addi %scan3A_363, %scan3A_389 : i32
      %mul3A_391 = arith.constant 16 : i32
      %mul3A_392 = arith.muli %scan3A_390, %mul3A_391 : i32
      %get3A_393 = arith.index_cast %mul3A_392 : i32 to index
      %get3A_394 = tpu.vector_load %arg5[%get3A_393] {strides = array<i32>} : memref<32768xf32, #tpu.memory_space<vmem>>, vector<16xf32>,
      %max3A_395 = arith.maximumf %max3A_375, %get3A_394 : vector<16xf32>
      %min3A_396 = arith.minimumf %max3A_375, %get3A_394 : vector<16xf32>
      %max3A_397 = arith.maximumf %max3A_377, %min3A_396 : vector<16xf32>
      %min3A_398 = arith.minimumf %max3A_377, %min3A_396 : vector<16xf32>
      %max3A_399 = arith.maximumf %max3A_379, %min3A_398 : vector<16xf32>
      %min3A_400 = arith.minimumf %max3A_379, %min3A_398 : vector<16xf32>
      %max3A_401 = arith.maximumf %max3A_381, %min3A_400 : vector<16xf32>
      %min3A_402 = arith.minimumf %min3A_382, %get3A_394 : vector<16xf32>
      %max3A_403 = arith.maximumf %min3A_382, %get3A_394 : vector<16xf32>
      %min3A_404 = arith.minimumf %min3A_384, %max3A_403 : vector<16xf32>
      %max3A_405 = arith.maximumf %min3A_384, %max3A_403 : vector<16xf32>
      %min3A_406 = arith.minimumf %min3A_386, %max3A_405 : vector<16xf32>
      %max3A_407 = arith.maximumf %min3A_386, %max3A_405 : vector<16xf32>
      %min3A_408 = arith.minimumf %min3A_388, %max3A_407 : vector<16xf32>
      %scan3A_409 = arith.constant 2 : i32
      %scan3A_410 = arith.addi %scan3A_363, %scan3A_409 : i32
      %mul3A_411 = arith.constant 16 : i32
      %mul3A_412 = arith.muli %scan3A_410, %mul3A_411 : i32
      %get3A_413 = arith.index_cast %mul3A_412 : i32 to index
      %get3A_414 = tpu.vector_load %arg5[%get3A_413] {strides = array<i32>} : memref<32768xf32, #tpu.memory_space<vmem>>, vector<16xf32>,
      %max3A_415 = arith.maximumf %max3A_395, %get3A_414 : vector<16xf32>
      %min3A_416 = arith.minimumf %max3A_395, %get3A_414 : vector<16xf32>
      %max3A_417 = arith.maximumf %max3A_397, %min3A_416 : vector<16xf32>
      %min3A_418 = arith.minimumf %max3A_397, %min3A_416 : vector<16xf32>
      %max3A_419 = arith.maximumf %max3A_399, %min3A_418 : vector<16xf32>
      %min3A_420 = arith.minimumf %max3A_399, %min3A_418 : vector<16xf32>
      %max3A_421 = arith.maximumf %max3A_401, %min3A_420 : vector<16xf32>
      %min3A_422 = arith.minimumf %min3A_402, %get3A_414 : vector<16xf32>
      %max3A_423 = arith.maximumf %min3A_402, %get3A_414 : vector<16xf32>
      %min3A_424 = arith.minimumf %min3A_404, %max3A_423 : vector<16xf32>
      %max3A_425 = arith.maximumf %min3A_404, %max3A_423 : vector<16xf32>
      %min3A_426 = arith.minimumf %min3A_406, %max3A_425 : vector<16xf32>
      %max3A_427 = arith.maximumf %min3A_406, %max3A_425 : vector<16xf32>
      %min3A_428 = arith.minimumf %min3A_408, %max3A_427 : vector<16xf32>
      %scan3A_429 = arith.constant 3 : i32
      %scan3A_430 = arith.addi %scan3A_363, %scan3A_429 : i32
      %mul3A_431 = arith.constant 16 : i32
      %mul3A_432 = arith.muli %scan3A_430, %mul3A_431 : i32
      %get3A_433 = arith.index_cast %mul3A_432 : i32 to index
      %get3A_434 = tpu.vector_load %arg5[%get3A_433] {strides = array<i32>} : memref<32768xf32, #tpu.memory_space<vmem>>, vector<16xf32>,
      %max3A_435 = arith.maximumf %max3A_415, %get3A_434 : vector<16xf32>
      %min3A_436 = arith.minimumf %max3A_415, %get3A_434 : vector<16xf32>
      %max3A_437 = arith.maximumf %max3A_417, %min3A_436 : vector<16xf32>
      %min3A_438 = arith.minimumf %max3A_417, %min3A_436 : vector<16xf32>
      %max3A_439 = arith.maximumf %max3A_419, %min3A_438 : vector<16xf32>
      %min3A_440 = arith.minimumf %max3A_419, %min3A_438 : vector<16xf32>
      %max3A_441 = arith.maximumf %max3A_421, %min3A_440 : vector<16xf32>
      %min3A_442 = arith.minimumf %min3A_422, %get3A_434 : vector<16xf32>
      %max3A_443 = arith.maximumf %min3A_422, %get3A_434 : vector<16xf32>
      %min3A_444 = arith.minimumf %min3A_424, %max3A_443 : vector<16xf32>
      %max3A_445 = arith.maximumf %min3A_424, %max3A_443 : vector<16xf32>
      %min3A_446 = arith.minimumf %min3A_426, %max3A_445 : vector<16xf32>
      %max3A_447 = arith.maximumf %min3A_426, %max3A_445 : vector<16xf32>
      %min3A_448 = arith.minimumf %min3A_428, %max3A_447 : vector<16xf32>
      %scan3A_449 = arith.constant 4 : i32
      %scan3A_450 = arith.addi %scan3A_363, %scan3A_449 : i32
      %mul3A_451 = arith.constant 16 : i32
      %mul3A_452 = arith.muli %scan3A_450, %mul3A_451 : i32
      %get3A_453 = arith.index_cast %mul3A_452 : i32 to index
      %get3A_454 = tpu.vector_load %arg5[%get3A_453] {strides = array<i32>} : memref<32768xf32, #tpu.memory_space<vmem>>, vector<16xf32>,
      %max3A_455 = arith.maximumf %max3A_435, %get3A_454 : vector<16xf32>
      %min3A_456 = arith.minimumf %max3A_435, %get3A_454 : vector<16xf32>
      %max3A_457 = arith.maximumf %max3A_437, %min3A_456 : vector<16xf32>
      %min3A_458 = arith.minimumf %max3A_437, %min3A_456 : vector<16xf32>
      %max3A_459 = arith.maximumf %max3A_439, %min3A_458 : vector<16xf32>
      %min3A_460 = arith.minimumf %max3A_439, %min3A_458 : vector<16xf32>
      %max3A_461 = arith.maximumf %max3A_441, %min3A_460 : vector<16xf32>
      %min3A_462 = arith.minimumf %min3A_442, %get3A_454 : vector<16xf32>
      %max3A_463 = arith.maximumf %min3A_442, %get3A_454 : vector<16xf32>
      %min3A_464 = arith.minimumf %min3A_444, %max3A_463 : vector<16xf32>
      %max3A_465 = arith.maximumf %min3A_444, %max3A_463 : vector<16xf32>
      %min3A_466 = arith.minimumf %min3A_446, %max3A_465 : vector<16xf32>
      %max3A_467 = arith.maximumf %min3A_446, %max3A_465 : vector<16xf32>
      %min3A_468 = arith.minimumf %min3A_448, %max3A_467 : vector<16xf32>
      %scan3A_469 = arith.constant 5 : i32
      %scan3A_470 = arith.addi %scan3A_363, %scan3A_469 : i32
      %mul3A_471 = arith.constant 16 : i32
      %mul3A_472 = arith.muli %scan3A_470, %mul3A_471 : i32
      %get3A_473 = arith.index_cast %mul3A_472 : i32 to index
      %get3A_474 = tpu.vector_load %arg5[%get3A_473] {strides = array<i32>} : memref<32768xf32, #tpu.memory_space<vmem>>, vector<16xf32>,
      %max3A_475 = arith.maximumf %max3A_455, %get3A_474 : vector<16xf32>
      %min3A_476 = arith.minimumf %max3A_455, %get3A_474 : vector<16xf32>
      %max3A_477 = arith.maximumf %max3A_457, %min3A_476 : vector<16xf32>
      %min3A_478 = arith.minimumf %max3A_457, %min3A_476 : vector<16xf32>
      %max3A_479 = arith.maximumf %max3A_459, %min3A_478 : vector<16xf32>
      %min3A_480 = arith.minimumf %max3A_459, %min3A_478 : vector<16xf32>
      %max3A_481 = arith.maximumf %max3A_461, %min3A_480 : vector<16xf32>
      %min3A_482 = arith.minimumf %min3A_462, %get3A_474 : vector<16xf32>
      %max3A_483 = arith.maximumf %min3A_462, %get3A_474 : vector<16xf32>
      %min3A_484 = arith.minimumf %min3A_464, %max3A_483 : vector<16xf32>
      %max3A_485 = arith.maximumf %min3A_464, %max3A_483 : vector<16xf32>
      %min3A_486 = arith.minimumf %min3A_466, %max3A_485 : vector<16xf32>
      %max3A_487 = arith.maximumf %min3A_466, %max3A_485 : vector<16xf32>
      %min3A_488 = arith.minimumf %min3A_468, %max3A_487 : vector<16xf32>
      %scan3A_489 = arith.constant 6 : i32
      %scan3A_490 = arith.addi %scan3A_363, %scan3A_489 : i32
      %mul3A_491 = arith.constant 16 : i32
      %mul3A_492 = arith.muli %scan3A_490, %mul3A_491 : i32
      %get3A_493 = arith.index_cast %mul3A_492 : i32 to index
      %get3A_494 = tpu.vector_load %arg5[%get3A_493] {strides = array<i32>} : memref<32768xf32, #tpu.memory_space<vmem>>, vector<16xf32>,
      %max3A_495 = arith.maximumf %max3A_475, %get3A_494 : vector<16xf32>
      %min3A_496 = arith.minimumf %max3A_475, %get3A_494 : vector<16xf32>
      %max3A_497 = arith.maximumf %max3A_477, %min3A_496 : vector<16xf32>
      %min3A_498 = arith.minimumf %max3A_477, %min3A_496 : vector<16xf32>
      %max3A_499 = arith.maximumf %max3A_479, %min3A_498 : vector<16xf32>
      %min3A_500 = arith.minimumf %max3A_479, %min3A_498 : vector<16xf32>
      %max3A_501 = arith.maximumf %max3A_481, %min3A_500 : vector<16xf32>
      %min3A_502 = arith.minimumf %min3A_482, %get3A_494 : vector<16xf32>
      %max3A_503 = arith.maximumf %min3A_482, %get3A_494 : vector<16xf32>
      %min3A_504 = arith.minimumf %min3A_484, %max3A_503 : vector<16xf32>
      %max3A_505 = arith.maximumf %min3A_484, %max3A_503 : vector<16xf32>
      %min3A_506 = arith.minimumf %min3A_486, %max3A_505 : vector<16xf32>
      %max3A_507 = arith.maximumf %min3A_486, %max3A_505 : vector<16xf32>
      %min3A_508 = arith.minimumf %min3A_488, %max3A_507 : vector<16xf32>
      %scan3A_509 = arith.constant 7 : i32
      %scan3A_510 = arith.addi %scan3A_363, %scan3A_509 : i32
      %mul3A_511 = arith.constant 16 : i32
      %mul3A_512 = arith.muli %scan3A_510, %mul3A_511 : i32
      %get3A_513 = arith.index_cast %mul3A_512 : i32 to index
      %get3A_514 = tpu.vector_load %arg5[%get3A_513] {strides = array<i32>} : memref<32768xf32, #tpu.memory_space<vmem>>, vector<16xf32>,
      %max3A_515 = arith.maximumf %max3A_495, %get3A_514 : vector<16xf32>
      %min3A_516 = arith.minimumf %max3A_495, %get3A_514 : vector<16xf32>
      %max3A_517 = arith.maximumf %max3A_497, %min3A_516 : vector<16xf32>
      %min3A_518 = arith.minimumf %max3A_497, %min3A_516 : vector<16xf32>
      %max3A_519 = arith.maximumf %max3A_499, %min3A_518 : vector<16xf32>
      %min3A_520 = arith.minimumf %max3A_499, %min3A_518 : vector<16xf32>
      %max3A_521 = arith.maximumf %max3A_501, %min3A_520 : vector<16xf32>
      %min3A_522 = arith.minimumf %min3A_502, %get3A_514 : vector<16xf32>
      %max3A_523 = arith.maximumf %min3A_502, %get3A_514 : vector<16xf32>
      %min3A_524 = arith.minimumf %min3A_504, %max3A_523 : vector<16xf32>
      %max3A_525 = arith.maximumf %min3A_504, %max3A_523 : vector<16xf32>
      %min3A_526 = arith.minimumf %min3A_506, %max3A_525 : vector<16xf32>
      %max3A_527 = arith.maximumf %min3A_506, %max3A_525 : vector<16xf32>
      %min3A_528 = arith.minimumf %min3A_508, %max3A_527 : vector<16xf32>
      scf.yield %max3A_515, %max3A_517, %max3A_519, %max3A_521, %min3A_522, %min3A_524, %min3A_526, %min3A_528 : vector<16xf32>, vector<16xf32>, vector<16xf32>, vector<16xf32>, vector<16xf32>, vector<16xf32>, vector<16xf32>, vector<16xf32>
    }
    %scan3A_119 = arith.constant 2048 : i32
    %masked_sort3A_120 = arith.constant dense<true> : vector<16xi1>
    %masked_sort3A_121, %masked_sort3A_122, %masked_sort3A_123 = tpu.sort %scan3A_118#0, %scan3A_118#0 masked %masked_sort3A_120 {descending = true} : (vector<16xf32>, vector<16xf32>, vector<16xi1>) -> (vector<16xi1>, vector<16xf32>, vector<16xf32>)
    %masked_sort3A_124 = arith.constant dense<true> : vector<16xi1>
    %masked_sort3A_125, %masked_sort3A_126, %masked_sort3A_127 = tpu.sort %scan3A_118#1, %scan3A_118#1 masked %masked_sort3A_124 : (vector<16xf32>, vector<16xf32>, vector<16xi1>) -> (vector<16xi1>, vector<16xf32>, vector<16xf32>)
    %max3A_128 = arith.maximumf %masked_sort3A_122, %masked_sort3A_126 : vector<16xf32>
    %masked_sort3A_129 = arith.constant dense<true> : vector<16xi1>
    %masked_sort3A_130, %masked_sort3A_131, %masked_sort3A_132 = tpu.sort %scan3A_118#2, %scan3A_118#2 masked %masked_sort3A_129 {descending = true} : (vector<16xf32>, vector<16xf32>, vector<16xi1>) -> (vector<16xi1>, vector<16xf32>, vector<16xf32>)
    %masked_sort3A_133 = arith.constant dense<true> : vector<16xi1>
    %masked_sort3A_134, %masked_sort3A_135, %masked_sort3A_136 = tpu.sort %scan3A_118#3, %scan3A_118#3 masked %masked_sort3A_133 : (vector<16xf32>, vector<16xf32>, vector<16xi1>) -> (vector<16xi1>, vector<16xf32>, vector<16xf32>)
    %max3A_137 = arith.maximumf %masked_sort3A_131, %masked_sort3A_135 : vector<16xf32>
    %masked_sort3A_138 = arith.constant dense<true> : vector<16xi1>
    %masked_sort3A_139, %masked_sort3A_140, %masked_sort3A_141 = tpu.sort %max3A_128, %max3A_128 masked %masked_sort3A_138 {descending = true} : (vector<16xf32>, vector<16xf32>, vector<16xi1>) -> (vector<16xi1>, vector<16xf32>, vector<16xf32>)
    %masked_sort3A_142 = arith.constant dense<true> : vector<16xi1>
    %masked_sort3A_143, %masked_sort3A_144, %masked_sort3A_145 = tpu.sort %max3A_137, %max3A_137 masked %masked_sort3A_142 : (vector<16xf32>, vector<16xf32>, vector<16xi1>) -> (vector<16xi1>, vector<16xf32>, vector<16xf32>)
    %max3A_146 = arith.maximumf %masked_sort3A_140, %masked_sort3A_144 : vector<16xf32>
    %masked_sort3A_147 = arith.constant dense<true> : vector<16xi1>
    %masked_sort3A_148, %masked_sort3A_149, %masked_sort3A_150 = tpu.sort %max3A_146, %max3A_146 masked %masked_sort3A_147 {descending = true} : (vector<16xf32>, vector<16xf32>, vector<16xi1>) -> (vector<16xi1>, vector<16xf32>, vector<16xf32>)
    %masked_sort3A_151 = arith.constant dense<true> : vector<16xi1>
    %masked_sort3A_152, %masked_sort3A_153, %masked_sort3A_154 = tpu.sort %scan3A_118#4, %scan3A_118#4 masked %masked_sort3A_151 : (vector<16xf32>, vector<16xf32>, vector<16xi1>) -> (vector<16xi1>, vector<16xf32>, vector<16xf32>)
    %masked_sort3A_155 = arith.constant dense<true> : vector<16xi1>
    %masked_sort3A_156, %masked_sort3A_157, %masked_sort3A_158 = tpu.sort %scan3A_118#5, %scan3A_118#5 masked %masked_sort3A_155 {descending = true} : (vector<16xf32>, vector<16xf32>, vector<16xi1>) -> (vector<16xi1>, vector<16xf32>, vector<16xf32>)
    %min3A_159 = arith.minimumf %masked_sort3A_153, %masked_sort3A_157 : vector<16xf32>
    %masked_sort3A_160 = arith.constant dense<true> : vector<16xi1>
    %masked_sort3A_161, %masked_sort3A_162, %masked_sort3A_163 = tpu.sort %scan3A_118#6, %scan3A_118#6 masked %masked_sort3A_160 : (vector<16xf32>, vector<16xf32>, vector<16xi1>) -> (vector<16xi1>, vector<16xf32>, vector<16xf32>)
    %masked_sort3A_164 = arith.constant dense<true> : vector<16xi1>
    %masked_sort3A_165, %masked_sort3A_166, %masked_sort3A_167 = tpu.sort %scan3A_118#7, %scan3A_118#7 masked %masked_sort3A_164 {descending = true} : (vector<16xf32>, vector<16xf32>, vector<16xi1>) -> (vector<16xi1>, vector<16xf32>, vector<16xf32>)
    %min3A_168 = arith.minimumf %masked_sort3A_162, %masked_sort3A_166 : vector<16xf32>
    %masked_sort3A_169 = arith.constant dense<true> : vector<16xi1>
    %masked_sort3A_170, %masked_sort3A_171, %masked_sort3A_172 = tpu.sort %min3A_159, %min3A_159 masked %masked_sort3A_169 : (vector<16xf32>, vector<16xf32>, vector<16xi1>) -> (vector<16xi1>, vector<16xf32>, vector<16xf32>)
    %masked_sort3A_173 = arith.constant dense<true> : vector<16xi1>
    %masked_sort3A_174, %masked_sort3A_175, %masked_sort3A_176 = tpu.sort %min3A_168, %min3A_168 masked %masked_sort3A_173 {descending = true} : (vector<16xf32>, vector<16xf32>, vector<16xi1>) -> (vector<16xi1>, vector<16xf32>, vector<16xf32>)
    %min3A_177 = arith.minimumf %masked_sort3A_171, %masked_sort3A_175 : vector<16xf32>
    %masked_sort3A_178 = arith.constant dense<true> : vector<16xi1>
    %masked_sort3A_179, %masked_sort3A_180, %masked_sort3A_181 = tpu.sort %min3A_177, %min3A_177 masked %masked_sort3A_178 : (vector<16xf32>, vector<16xf32>, vector<16xi1>) -> (vector<16xi1>, vector<16xf32>, vector<16xf32>)
    %add3A_182 = arith.addf %masked_sort3A_149, %masked_sort3A_180 : vector<16xf32>
    %swap3A_183 = arith.constant 1 : i32
    %swap3A_184 = arith.index_cast %swap3A_183 : i32 to index
    %swap3A_185 = arith.constant 0 : index
    %swap3A_186 = tpu.vector_load %arg6[%swap3A_184, %swap3A_185] {strides = array<i32>} : memref<4x16xf32, #tpu.memory_space<vmem>>, vector<16xf32>,
    tpu.vector_store %arg6[%swap3A_184, %swap3A_185], %add3A_182 {strides = array<i32>} : memref<4x16xf32, #tpu.memory_space<vmem>>, vector<16xf32>,
    %add3A_187 = arith.constant 2 : i32
    %add3A_188 = arith.addi %mul3A_2, %add3A_187 : i32
    %add3A_189 = arith.constant 1 : i32
    %add3A_190 = arith.addi %add3A_188, %add3A_189 : i32
    %dma_start3A_191 = arith.constant 0 : i32
    %dma_start3A_192 = tpu.memref_slice %arg2[%add3A_190, %dma_start3A_191] : memref<128x32768xf32, #tpu.memory_space<hbm>> -> memref<1x32768xf32, #tpu.memory_space<hbm>>
    %dma_start3A_193 = tpu.memref_squeeze %dma_start3A_192 : memref<1x32768xf32, #tpu.memory_space<hbm>> -> memref<32768xf32, #tpu.memory_space<hbm>>
    %dma_start3A_194 = arith.constant 0 : i32
    %dma_start3A_195 = tpu.memref_slice %arg2[%add3A_190, %dma_start3A_194] : memref<128x32768xf32, #tpu.memory_space<hbm>> -> memref<1x32768xf32, #tpu.memory_space<hbm>>
    %dma_start3A_196 = tpu.memref_squeeze %dma_start3A_195 : memref<1x32768xf32, #tpu.memory_space<hbm>> -> memref<32768xf32, #tpu.memory_space<hbm>>
    tpu.enqueue_dma source(%dma_start3A_196 : memref<32768xf32, #tpu.memory_space<hbm>>) target(%arg5 : memref<32768xf32, #tpu.memory_space<vmem>>) target_semaphore(%arg8 : memref<!tpu.dma_semaphore, #tpu.memory_space<semaphore_mem>>)
    %dma_wait3A_197 = arith.constant 0 : i32
    %dma_wait3A_198 = tpu.memref_slice %arg2[%add3A_97, %dma_wait3A_197] : memref<128x32768xf32, #tpu.memory_space<hbm>> -> memref<1x32768xf32, #tpu.memory_space<hbm>>
    %dma_wait3A_199 = tpu.memref_squeeze %dma_wait3A_198 : memref<1x32768xf32, #tpu.memory_space<hbm>> -> memref<32768xf32, #tpu.memory_space<hbm>>
    %dma_wait3A_200 = arith.constant 0 : i32
    %dma_wait3A_201 = tpu.memref_slice %arg2[%add3A_97, %dma_wait3A_200] : memref<128x32768xf32, #tpu.memory_space<hbm>> -> memref<1x32768xf32, #tpu.memory_space<hbm>>
    %dma_wait3A_202 = tpu.memref_squeeze %dma_wait3A_201 : memref<1x32768xf32, #tpu.memory_space<hbm>> -> memref<32768xf32, #tpu.memory_space<hbm>>
    tpu.wait_dma2 semaphore(%arg7 : memref<!tpu.dma_semaphore, #tpu.memory_space<semaphore_mem>>) src(%dma_wait3A_202 : memref<32768xf32, #tpu.memory_space<hbm>>) dst(%arg4 : memref<32768xf32, #tpu.memory_space<vmem>>)
    %broadcast_in_dim3A_203 = arith.constant 0xFF800000 : f32
    %broadcast_in_dim3A_204 = vector.broadcast %broadcast_in_dim3A_203 : f32 to vector<16xf32>
    %broadcast_in_dim3A_205 = arith.constant 0x7F800000 : f32
    %broadcast_in_dim3A_206 = vector.broadcast %broadcast_in_dim3A_205 : f32 to vector<16xf32>
    %scan3A_207 = arith.constant 0 : i32
    %scan3A_208 = arith.constant 2048 : i32
    %scan3A_209 = arith.addi %scan3A_207, %scan3A_208 : i32
    %scan3A_210 = arith.constant 8 : i32
    %scan3A_211:8 = scf.for %scan3A_363 = %scan3A_207 to %scan3A_209 step %scan3A_210 iter_args(%scan3A_364 = %broadcast_in_dim3A_204, %scan3A_365 = %broadcast_in_dim3A_204, %scan3A_366 = %broadcast_in_dim3A_204, %scan3A_367 = %broadcast_in_dim3A_204, %scan3A_368 = %broadcast_in_dim3A_206, %scan3A_369 = %broadcast_in_dim3A_206, %scan3A_370 = %broadcast_in_dim3A_206, %scan3A_371 = %broadcast_in_dim3A_206) -> (vector<16xf32>, vector<16xf32>, vector<16xf32>, vector<16xf32>, vector<16xf32>, vector<16xf32>, vector<16xf32>, vector<16xf32>)  : i32 {
      %mul3A_372 = arith.constant 16 : i32
      %mul3A_373 = arith.muli %scan3A_363, %mul3A_372 : i32
      %get3A = arith.index_cast %mul3A_373 : i32 to index
      %get3A_374 = tpu.vector_load %arg4[%get3A] {strides = array<i32>} : memref<32768xf32, #tpu.memory_space<vmem>>, vector<16xf32>,
      %max3A_375 = arith.maximumf %scan3A_364, %get3A_374 : vector<16xf32>
      %min3A_376 = arith.minimumf %scan3A_364, %get3A_374 : vector<16xf32>
      %max3A_377 = arith.maximumf %scan3A_365, %min3A_376 : vector<16xf32>
      %min3A_378 = arith.minimumf %scan3A_365, %min3A_376 : vector<16xf32>
      %max3A_379 = arith.maximumf %scan3A_366, %min3A_378 : vector<16xf32>
      %min3A_380 = arith.minimumf %scan3A_366, %min3A_378 : vector<16xf32>
      %max3A_381 = arith.maximumf %scan3A_367, %min3A_380 : vector<16xf32>
      %min3A_382 = arith.minimumf %scan3A_368, %get3A_374 : vector<16xf32>
      %max3A_383 = arith.maximumf %scan3A_368, %get3A_374 : vector<16xf32>
      %min3A_384 = arith.minimumf %scan3A_369, %max3A_383 : vector<16xf32>
      %max3A_385 = arith.maximumf %scan3A_369, %max3A_383 : vector<16xf32>
      %min3A_386 = arith.minimumf %scan3A_370, %max3A_385 : vector<16xf32>
      %max3A_387 = arith.maximumf %scan3A_370, %max3A_385 : vector<16xf32>
      %min3A_388 = arith.minimumf %scan3A_371, %max3A_387 : vector<16xf32>
      %scan3A_389 = arith.constant 1 : i32
      %scan3A_390 = arith.addi %scan3A_363, %scan3A_389 : i32
      %mul3A_391 = arith.constant 16 : i32
      %mul3A_392 = arith.muli %scan3A_390, %mul3A_391 : i32
      %get3A_393 = arith.index_cast %mul3A_392 : i32 to index
      %get3A_394 = tpu.vector_load %arg4[%get3A_393] {strides = array<i32>} : memref<32768xf32, #tpu.memory_space<vmem>>, vector<16xf32>,
      %max3A_395 = arith.maximumf %max3A_375, %get3A_394 : vector<16xf32>
      %min3A_396 = arith.minimumf %max3A_375, %get3A_394 : vector<16xf32>
      %max3A_397 = arith.maximumf %max3A_377, %min3A_396 : vector<16xf32>
      %min3A_398 = arith.minimumf %max3A_377, %min3A_396 : vector<16xf32>
      %max3A_399 = arith.maximumf %max3A_379, %min3A_398 : vector<16xf32>
      %min3A_400 = arith.minimumf %max3A_379, %min3A_398 : vector<16xf32>
      %max3A_401 = arith.maximumf %max3A_381, %min3A_400 : vector<16xf32>
      %min3A_402 = arith.minimumf %min3A_382, %get3A_394 : vector<16xf32>
      %max3A_403 = arith.maximumf %min3A_382, %get3A_394 : vector<16xf32>
      %min3A_404 = arith.minimumf %min3A_384, %max3A_403 : vector<16xf32>
      %max3A_405 = arith.maximumf %min3A_384, %max3A_403 : vector<16xf32>
      %min3A_406 = arith.minimumf %min3A_386, %max3A_405 : vector<16xf32>
      %max3A_407 = arith.maximumf %min3A_386, %max3A_405 : vector<16xf32>
      %min3A_408 = arith.minimumf %min3A_388, %max3A_407 : vector<16xf32>
      %scan3A_409 = arith.constant 2 : i32
      %scan3A_410 = arith.addi %scan3A_363, %scan3A_409 : i32
      %mul3A_411 = arith.constant 16 : i32
      %mul3A_412 = arith.muli %scan3A_410, %mul3A_411 : i32
      %get3A_413 = arith.index_cast %mul3A_412 : i32 to index
      %get3A_414 = tpu.vector_load %arg4[%get3A_413] {strides = array<i32>} : memref<32768xf32, #tpu.memory_space<vmem>>, vector<16xf32>,
      %max3A_415 = arith.maximumf %max3A_395, %get3A_414 : vector<16xf32>
      %min3A_416 = arith.minimumf %max3A_395, %get3A_414 : vector<16xf32>
      %max3A_417 = arith.maximumf %max3A_397, %min3A_416 : vector<16xf32>
      %min3A_418 = arith.minimumf %max3A_397, %min3A_416 : vector<16xf32>
      %max3A_419 = arith.maximumf %max3A_399, %min3A_418 : vector<16xf32>
      %min3A_420 = arith.minimumf %max3A_399, %min3A_418 : vector<16xf32>
      %max3A_421 = arith.maximumf %max3A_401, %min3A_420 : vector<16xf32>
      %min3A_422 = arith.minimumf %min3A_402, %get3A_414 : vector<16xf32>
      %max3A_423 = arith.maximumf %min3A_402, %get3A_414 : vector<16xf32>
      %min3A_424 = arith.minimumf %min3A_404, %max3A_423 : vector<16xf32>
      %max3A_425 = arith.maximumf %min3A_404, %max3A_423 : vector<16xf32>
      %min3A_426 = arith.minimumf %min3A_406, %max3A_425 : vector<16xf32>
      %max3A_427 = arith.maximumf %min3A_406, %max3A_425 : vector<16xf32>
      %min3A_428 = arith.minimumf %min3A_408, %max3A_427 : vector<16xf32>
      %scan3A_429 = arith.constant 3 : i32
      %scan3A_430 = arith.addi %scan3A_363, %scan3A_429 : i32
      %mul3A_431 = arith.constant 16 : i32
      %mul3A_432 = arith.muli %scan3A_430, %mul3A_431 : i32
      %get3A_433 = arith.index_cast %mul3A_432 : i32 to index
      %get3A_434 = tpu.vector_load %arg4[%get3A_433] {strides = array<i32>} : memref<32768xf32, #tpu.memory_space<vmem>>, vector<16xf32>,
      %max3A_435 = arith.maximumf %max3A_415, %get3A_434 : vector<16xf32>
      %min3A_436 = arith.minimumf %max3A_415, %get3A_434 : vector<16xf32>
      %max3A_437 = arith.maximumf %max3A_417, %min3A_436 : vector<16xf32>
      %min3A_438 = arith.minimumf %max3A_417, %min3A_436 : vector<16xf32>
      %max3A_439 = arith.maximumf %max3A_419, %min3A_438 : vector<16xf32>
      %min3A_440 = arith.minimumf %max3A_419, %min3A_438 : vector<16xf32>
      %max3A_441 = arith.maximumf %max3A_421, %min3A_440 : vector<16xf32>
      %min3A_442 = arith.minimumf %min3A_422, %get3A_434 : vector<16xf32>
      %max3A_443 = arith.maximumf %min3A_422, %get3A_434 : vector<16xf32>
      %min3A_444 = arith.minimumf %min3A_424, %max3A_443 : vector<16xf32>
      %max3A_445 = arith.maximumf %min3A_424, %max3A_443 : vector<16xf32>
      %min3A_446 = arith.minimumf %min3A_426, %max3A_445 : vector<16xf32>
      %max3A_447 = arith.maximumf %min3A_426, %max3A_445 : vector<16xf32>
      %min3A_448 = arith.minimumf %min3A_428, %max3A_447 : vector<16xf32>
      %scan3A_449 = arith.constant 4 : i32
      %scan3A_450 = arith.addi %scan3A_363, %scan3A_449 : i32
      %mul3A_451 = arith.constant 16 : i32
      %mul3A_452 = arith.muli %scan3A_450, %mul3A_451 : i32
      %get3A_453 = arith.index_cast %mul3A_452 : i32 to index
      %get3A_454 = tpu.vector_load %arg4[%get3A_453] {strides = array<i32>} : memref<32768xf32, #tpu.memory_space<vmem>>, vector<16xf32>,
      %max3A_455 = arith.maximumf %max3A_435, %get3A_454 : vector<16xf32>
      %min3A_456 = arith.minimumf %max3A_435, %get3A_454 : vector<16xf32>
      %max3A_457 = arith.maximumf %max3A_437, %min3A_456 : vector<16xf32>
      %min3A_458 = arith.minimumf %max3A_437, %min3A_456 : vector<16xf32>
      %max3A_459 = arith.maximumf %max3A_439, %min3A_458 : vector<16xf32>
      %min3A_460 = arith.minimumf %max3A_439, %min3A_458 : vector<16xf32>
      %max3A_461 = arith.maximumf %max3A_441, %min3A_460 : vector<16xf32>
      %min3A_462 = arith.minimumf %min3A_442, %get3A_454 : vector<16xf32>
      %max3A_463 = arith.maximumf %min3A_442, %get3A_454 : vector<16xf32>
      %min3A_464 = arith.minimumf %min3A_444, %max3A_463 : vector<16xf32>
      %max3A_465 = arith.maximumf %min3A_444, %max3A_463 : vector<16xf32>
      %min3A_466 = arith.minimumf %min3A_446, %max3A_465 : vector<16xf32>
      %max3A_467 = arith.maximumf %min3A_446, %max3A_465 : vector<16xf32>
      %min3A_468 = arith.minimumf %min3A_448, %max3A_467 : vector<16xf32>
      %scan3A_469 = arith.constant 5 : i32
      %scan3A_470 = arith.addi %scan3A_363, %scan3A_469 : i32
      %mul3A_471 = arith.constant 16 : i32
      %mul3A_472 = arith.muli %scan3A_470, %mul3A_471 : i32
      %get3A_473 = arith.index_cast %mul3A_472 : i32 to index
      %get3A_474 = tpu.vector_load %arg4[%get3A_473] {strides = array<i32>} : memref<32768xf32, #tpu.memory_space<vmem>>, vector<16xf32>,
      %max3A_475 = arith.maximumf %max3A_455, %get3A_474 : vector<16xf32>
      %min3A_476 = arith.minimumf %max3A_455, %get3A_474 : vector<16xf32>
      %max3A_477 = arith.maximumf %max3A_457, %min3A_476 : vector<16xf32>
      %min3A_478 = arith.minimumf %max3A_457, %min3A_476 : vector<16xf32>
      %max3A_479 = arith.maximumf %max3A_459, %min3A_478 : vector<16xf32>
      %min3A_480 = arith.minimumf %max3A_459, %min3A_478 : vector<16xf32>
      %max3A_481 = arith.maximumf %max3A_461, %min3A_480 : vector<16xf32>
      %min3A_482 = arith.minimumf %min3A_462, %get3A_474 : vector<16xf32>
      %max3A_483 = arith.maximumf %min3A_462, %get3A_474 : vector<16xf32>
      %min3A_484 = arith.minimumf %min3A_464, %max3A_483 : vector<16xf32>
      %max3A_485 = arith.maximumf %min3A_464, %max3A_483 : vector<16xf32>
      %min3A_486 = arith.minimumf %min3A_466, %max3A_485 : vector<16xf32>
      %max3A_487 = arith.maximumf %min3A_466, %max3A_485 : vector<16xf32>
      %min3A_488 = arith.minimumf %min3A_468, %max3A_487 : vector<16xf32>
      %scan3A_489 = arith.constant 6 : i32
      %scan3A_490 = arith.addi %scan3A_363, %scan3A_489 : i32
      %mul3A_491 = arith.constant 16 : i32
      %mul3A_492 = arith.muli %scan3A_490, %mul3A_491 : i32
      %get3A_493 = arith.index_cast %mul3A_492 : i32 to index
      %get3A_494 = tpu.vector_load %arg4[%get3A_493] {strides = array<i32>} : memref<32768xf32, #tpu.memory_space<vmem>>, vector<16xf32>,
      %max3A_495 = arith.maximumf %max3A_475, %get3A_494 : vector<16xf32>
      %min3A_496 = arith.minimumf %max3A_475, %get3A_494 : vector<16xf32>
      %max3A_497 = arith.maximumf %max3A_477, %min3A_496 : vector<16xf32>
      %min3A_498 = arith.minimumf %max3A_477, %min3A_496 : vector<16xf32>
      %max3A_499 = arith.maximumf %max3A_479, %min3A_498 : vector<16xf32>
      %min3A_500 = arith.minimumf %max3A_479, %min3A_498 : vector<16xf32>
      %max3A_501 = arith.maximumf %max3A_481, %min3A_500 : vector<16xf32>
      %min3A_502 = arith.minimumf %min3A_482, %get3A_494 : vector<16xf32>
      %max3A_503 = arith.maximumf %min3A_482, %get3A_494 : vector<16xf32>
      %min3A_504 = arith.minimumf %min3A_484, %max3A_503 : vector<16xf32>
      %max3A_505 = arith.maximumf %min3A_484, %max3A_503 : vector<16xf32>
      %min3A_506 = arith.minimumf %min3A_486, %max3A_505 : vector<16xf32>
      %max3A_507 = arith.maximumf %min3A_486, %max3A_505 : vector<16xf32>
      %min3A_508 = arith.minimumf %min3A_488, %max3A_507 : vector<16xf32>
      %scan3A_509 = arith.constant 7 : i32
      %scan3A_510 = arith.addi %scan3A_363, %scan3A_509 : i32
      %mul3A_511 = arith.constant 16 : i32
      %mul3A_512 = arith.muli %scan3A_510, %mul3A_511 : i32
      %get3A_513 = arith.index_cast %mul3A_512 : i32 to index
      %get3A_514 = tpu.vector_load %arg4[%get3A_513] {strides = array<i32>} : memref<32768xf32, #tpu.memory_space<vmem>>, vector<16xf32>,
      %max3A_515 = arith.maximumf %max3A_495, %get3A_514 : vector<16xf32>
      %min3A_516 = arith.minimumf %max3A_495, %get3A_514 : vector<16xf32>
      %max3A_517 = arith.maximumf %max3A_497, %min3A_516 : vector<16xf32>
      %min3A_518 = arith.minimumf %max3A_497, %min3A_516 : vector<16xf32>
      %max3A_519 = arith.maximumf %max3A_499, %min3A_518 : vector<16xf32>
      %min3A_520 = arith.minimumf %max3A_499, %min3A_518 : vector<16xf32>
      %max3A_521 = arith.maximumf %max3A_501, %min3A_520 : vector<16xf32>
      %min3A_522 = arith.minimumf %min3A_502, %get3A_514 : vector<16xf32>
      %max3A_523 = arith.maximumf %min3A_502, %get3A_514 : vector<16xf32>
      %min3A_524 = arith.minimumf %min3A_504, %max3A_523 : vector<16xf32>
      %max3A_525 = arith.maximumf %min3A_504, %max3A_523 : vector<16xf32>
      %min3A_526 = arith.minimumf %min3A_506, %max3A_525 : vector<16xf32>
      %max3A_527 = arith.maximumf %min3A_506, %max3A_525 : vector<16xf32>
      %min3A_528 = arith.minimumf %min3A_508, %max3A_527 : vector<16xf32>
      scf.yield %max3A_515, %max3A_517, %max3A_519, %max3A_521, %min3A_522, %min3A_524, %min3A_526, %min3A_528 : vector<16xf32>, vector<16xf32>, vector<16xf32>, vector<16xf32>, vector<16xf32>, vector<16xf32>, vector<16xf32>, vector<16xf32>
    }
    %scan3A_212 = arith.constant 2048 : i32
    %masked_sort3A_213 = arith.constant dense<true> : vector<16xi1>
    %masked_sort3A_214, %masked_sort3A_215, %masked_sort3A_216 = tpu.sort %scan3A_211#0, %scan3A_211#0 masked %masked_sort3A_213 {descending = true} : (vector<16xf32>, vector<16xf32>, vector<16xi1>) -> (vector<16xi1>, vector<16xf32>, vector<16xf32>)
    %masked_sort3A_217 = arith.constant dense<true> : vector<16xi1>
    %masked_sort3A_218, %masked_sort3A_219, %masked_sort3A_220 = tpu.sort %scan3A_211#1, %scan3A_211#1 masked %masked_sort3A_217 : (vector<16xf32>, vector<16xf32>, vector<16xi1>) -> (vector<16xi1>, vector<16xf32>, vector<16xf32>)
    %max3A_221 = arith.maximumf %masked_sort3A_215, %masked_sort3A_219 : vector<16xf32>
    %masked_sort3A_222 = arith.constant dense<true> : vector<16xi1>
    %masked_sort3A_223, %masked_sort3A_224, %masked_sort3A_225 = tpu.sort %scan3A_211#2, %scan3A_211#2 masked %masked_sort3A_222 {descending = true} : (vector<16xf32>, vector<16xf32>, vector<16xi1>) -> (vector<16xi1>, vector<16xf32>, vector<16xf32>)
    %masked_sort3A_226 = arith.constant dense<true> : vector<16xi1>
    %masked_sort3A_227, %masked_sort3A_228, %masked_sort3A_229 = tpu.sort %scan3A_211#3, %scan3A_211#3 masked %masked_sort3A_226 : (vector<16xf32>, vector<16xf32>, vector<16xi1>) -> (vector<16xi1>, vector<16xf32>, vector<16xf32>)
    %max3A_230 = arith.maximumf %masked_sort3A_224, %masked_sort3A_228 : vector<16xf32>
    %masked_sort3A_231 = arith.constant dense<true> : vector<16xi1>
    %masked_sort3A_232, %masked_sort3A_233, %masked_sort3A_234 = tpu.sort %max3A_221, %max3A_221 masked %masked_sort3A_231 {descending = true} : (vector<16xf32>, vector<16xf32>, vector<16xi1>) -> (vector<16xi1>, vector<16xf32>, vector<16xf32>)
    %masked_sort3A_235 = arith.constant dense<true> : vector<16xi1>
    %masked_sort3A_236, %masked_sort3A_237, %masked_sort3A_238 = tpu.sort %max3A_230, %max3A_230 masked %masked_sort3A_235 : (vector<16xf32>, vector<16xf32>, vector<16xi1>) -> (vector<16xi1>, vector<16xf32>, vector<16xf32>)
    %max3A_239 = arith.maximumf %masked_sort3A_233, %masked_sort3A_237 : vector<16xf32>
    %masked_sort3A_240 = arith.constant dense<true> : vector<16xi1>
    %masked_sort3A_241, %masked_sort3A_242, %masked_sort3A_243 = tpu.sort %max3A_239, %max3A_239 masked %masked_sort3A_240 {descending = true} : (vector<16xf32>, vector<16xf32>, vector<16xi1>) -> (vector<16xi1>, vector<16xf32>, vector<16xf32>)
    %masked_sort3A_244 = arith.constant dense<true> : vector<16xi1>
    %masked_sort3A_245, %masked_sort3A_246, %masked_sort3A_247 = tpu.sort %scan3A_211#4, %scan3A_211#4 masked %masked_sort3A_244 : (vector<16xf32>, vector<16xf32>, vector<16xi1>) -> (vector<16xi1>, vector<16xf32>, vector<16xf32>)
    %masked_sort3A_248 = arith.constant dense<true> : vector<16xi1>
    %masked_sort3A_249, %masked_sort3A_250, %masked_sort3A_251 = tpu.sort %scan3A_211#5, %scan3A_211#5 masked %masked_sort3A_248 {descending = true} : (vector<16xf32>, vector<16xf32>, vector<16xi1>) -> (vector<16xi1>, vector<16xf32>, vector<16xf32>)
    %min3A_252 = arith.minimumf %masked_sort3A_246, %masked_sort3A_250 : vector<16xf32>
    %masked_sort3A_253 = arith.constant dense<true> : vector<16xi1>
    %masked_sort3A_254, %masked_sort3A_255, %masked_sort3A_256 = tpu.sort %scan3A_211#6, %scan3A_211#6 masked %masked_sort3A_253 : (vector<16xf32>, vector<16xf32>, vector<16xi1>) -> (vector<16xi1>, vector<16xf32>, vector<16xf32>)
    %masked_sort3A_257 = arith.constant dense<true> : vector<16xi1>
    %masked_sort3A_258, %masked_sort3A_259, %masked_sort3A_260 = tpu.sort %scan3A_211#7, %scan3A_211#7 masked %masked_sort3A_257 {descending = true} : (vector<16xf32>, vector<16xf32>, vector<16xi1>) -> (vector<16xi1>, vector<16xf32>, vector<16xf32>)
    %min3A_261 = arith.minimumf %masked_sort3A_255, %masked_sort3A_259 : vector<16xf32>
    %masked_sort3A_262 = arith.constant dense<true> : vector<16xi1>
    %masked_sort3A_263, %masked_sort3A_264, %masked_sort3A_265 = tpu.sort %min3A_252, %min3A_252 masked %masked_sort3A_262 : (vector<16xf32>, vector<16xf32>, vector<16xi1>) -> (vector<16xi1>, vector<16xf32>, vector<16xf32>)
    %masked_sort3A_266 = arith.constant dense<true> : vector<16xi1>
    %masked_sort3A_267, %masked_sort3A_268, %masked_sort3A_269 = tpu.sort %min3A_261, %min3A_261 masked %masked_sort3A_266 {descending = true} : (vector<16xf32>, vector<16xf32>, vector<16xi1>) -> (vector<16xi1>, vector<16xf32>, vector<16xf32>)
    %min3A_270 = arith.minimumf %masked_sort3A_264, %masked_sort3A_268 : vector<16xf32>
    %masked_sort3A_271 = arith.constant dense<true> : vector<16xi1>
    %masked_sort3A_272, %masked_sort3A_273, %masked_sort3A_274 = tpu.sort %min3A_270, %min3A_270 masked %masked_sort3A_271 : (vector<16xf32>, vector<16xf32>, vector<16xi1>) -> (vector<16xi1>, vector<16xf32>, vector<16xf32>)
    %add3A_275 = arith.addf %masked_sort3A_242, %masked_sort3A_273 : vector<16xf32>
    %swap3A_276 = arith.constant 2 : i32
    %swap3A_277 = arith.index_cast %swap3A_276 : i32 to index
    %swap3A_278 = arith.constant 0 : index
    %swap3A_279 = tpu.vector_load %arg6[%swap3A_277, %swap3A_278] {strides = array<i32>} : memref<4x16xf32, #tpu.memory_space<vmem>>, vector<16xf32>,
    tpu.vector_store %arg6[%swap3A_277, %swap3A_278], %add3A_275 {strides = array<i32>} : memref<4x16xf32, #tpu.memory_space<vmem>>, vector<16xf32>,
    %dma_wait3A_280 = arith.constant 0 : i32
    %dma_wait3A_281 = tpu.memref_slice %arg2[%add3A_190, %dma_wait3A_280] : memref<128x32768xf32, #tpu.memory_space<hbm>> -> memref<1x32768xf32, #tpu.memory_space<hbm>>
    %dma_wait3A_282 = tpu.memref_squeeze %dma_wait3A_281 : memref<1x32768xf32, #tpu.memory_space<hbm>> -> memref<32768xf32, #tpu.memory_space<hbm>>
    %dma_wait3A_283 = arith.constant 0 : i32
    %dma_wait3A_284 = tpu.memref_slice %arg2[%add3A_190, %dma_wait3A_283] : memref<128x32768xf32, #tpu.memory_space<hbm>> -> memref<1x32768xf32, #tpu.memory_space<hbm>>
    %dma_wait3A_285 = tpu.memref_squeeze %dma_wait3A_284 : memref<1x32768xf32, #tpu.memory_space<hbm>> -> memref<32768xf32, #tpu.memory_space<hbm>>
    tpu.wait_dma2 semaphore(%arg8 : memref<!tpu.dma_semaphore, #tpu.memory_space<semaphore_mem>>) src(%dma_wait3A_285 : memref<32768xf32, #tpu.memory_space<hbm>>) dst(%arg5 : memref<32768xf32, #tpu.memory_space<vmem>>)
    %broadcast_in_dim3A_286 = arith.constant 0xFF800000 : f32
    %broadcast_in_dim3A_287 = vector.broadcast %broadcast_in_dim3A_286 : f32 to vector<16xf32>
    %broadcast_in_dim3A_288 = arith.constant 0x7F800000 : f32
    %broadcast_in_dim3A_289 = vector.broadcast %broadcast_in_dim3A_288 : f32 to vector<16xf32>
    %scan3A_290 = arith.constant 0 : i32
    %scan3A_291 = arith.constant 2048 : i32
    %scan3A_292 = arith.addi %scan3A_290, %scan3A_291 : i32
    %scan3A_293 = arith.constant 8 : i32
    %scan3A_294:8 = scf.for %scan3A_363 = %scan3A_290 to %scan3A_292 step %scan3A_293 iter_args(%scan3A_364 = %broadcast_in_dim3A_287, %scan3A_365 = %broadcast_in_dim3A_287, %scan3A_366 = %broadcast_in_dim3A_287, %scan3A_367 = %broadcast_in_dim3A_287, %scan3A_368 = %broadcast_in_dim3A_289, %scan3A_369 = %broadcast_in_dim3A_289, %scan3A_370 = %broadcast_in_dim3A_289, %scan3A_371 = %broadcast_in_dim3A_289) -> (vector<16xf32>, vector<16xf32>, vector<16xf32>, vector<16xf32>, vector<16xf32>, vector<16xf32>, vector<16xf32>, vector<16xf32>)  : i32 {
      %mul3A_372 = arith.constant 16 : i32
      %mul3A_373 = arith.muli %scan3A_363, %mul3A_372 : i32
      %get3A = arith.index_cast %mul3A_373 : i32 to index
      %get3A_374 = tpu.vector_load %arg5[%get3A] {strides = array<i32>} : memref<32768xf32, #tpu.memory_space<vmem>>, vector<16xf32>,
      %max3A_375 = arith.maximumf %scan3A_364, %get3A_374 : vector<16xf32>
      %min3A_376 = arith.minimumf %scan3A_364, %get3A_374 : vector<16xf32>
      %max3A_377 = arith.maximumf %scan3A_365, %min3A_376 : vector<16xf32>
      %min3A_378 = arith.minimumf %scan3A_365, %min3A_376 : vector<16xf32>
      %max3A_379 = arith.maximumf %scan3A_366, %min3A_378 : vector<16xf32>
      %min3A_380 = arith.minimumf %scan3A_366, %min3A_378 : vector<16xf32>
      %max3A_381 = arith.maximumf %scan3A_367, %min3A_380 : vector<16xf32>
      %min3A_382 = arith.minimumf %scan3A_368, %get3A_374 : vector<16xf32>
      %max3A_383 = arith.maximumf %scan3A_368, %get3A_374 : vector<16xf32>
      %min3A_384 = arith.minimumf %scan3A_369, %max3A_383 : vector<16xf32>
      %max3A_385 = arith.maximumf %scan3A_369, %max3A_383 : vector<16xf32>
      %min3A_386 = arith.minimumf %scan3A_370, %max3A_385 : vector<16xf32>
      %max3A_387 = arith.maximumf %scan3A_370, %max3A_385 : vector<16xf32>
      %min3A_388 = arith.minimumf %scan3A_371, %max3A_387 : vector<16xf32>
      %scan3A_389 = arith.constant 1 : i32
      %scan3A_390 = arith.addi %scan3A_363, %scan3A_389 : i32
      %mul3A_391 = arith.constant 16 : i32
      %mul3A_392 = arith.muli %scan3A_390, %mul3A_391 : i32
      %get3A_393 = arith.index_cast %mul3A_392 : i32 to index
      %get3A_394 = tpu.vector_load %arg5[%get3A_393] {strides = array<i32>} : memref<32768xf32, #tpu.memory_space<vmem>>, vector<16xf32>,
      %max3A_395 = arith.maximumf %max3A_375, %get3A_394 : vector<16xf32>
      %min3A_396 = arith.minimumf %max3A_375, %get3A_394 : vector<16xf32>
      %max3A_397 = arith.maximumf %max3A_377, %min3A_396 : vector<16xf32>
      %min3A_398 = arith.minimumf %max3A_377, %min3A_396 : vector<16xf32>
      %max3A_399 = arith.maximumf %max3A_379, %min3A_398 : vector<16xf32>
      %min3A_400 = arith.minimumf %max3A_379, %min3A_398 : vector<16xf32>
      %max3A_401 = arith.maximumf %max3A_381, %min3A_400 : vector<16xf32>
      %min3A_402 = arith.minimumf %min3A_382, %get3A_394 : vector<16xf32>
      %max3A_403 = arith.maximumf %min3A_382, %get3A_394 : vector<16xf32>
      %min3A_404 = arith.minimumf %min3A_384, %max3A_403 : vector<16xf32>
      %max3A_405 = arith.maximumf %min3A_384, %max3A_403 : vector<16xf32>
      %min3A_406 = arith.minimumf %min3A_386, %max3A_405 : vector<16xf32>
      %max3A_407 = arith.maximumf %min3A_386, %max3A_405 : vector<16xf32>
      %min3A_408 = arith.minimumf %min3A_388, %max3A_407 : vector<16xf32>
      %scan3A_409 = arith.constant 2 : i32
      %scan3A_410 = arith.addi %scan3A_363, %scan3A_409 : i32
      %mul3A_411 = arith.constant 16 : i32
      %mul3A_412 = arith.muli %scan3A_410, %mul3A_411 : i32
      %get3A_413 = arith.index_cast %mul3A_412 : i32 to index
      %get3A_414 = tpu.vector_load %arg5[%get3A_413] {strides = array<i32>} : memref<32768xf32, #tpu.memory_space<vmem>>, vector<16xf32>,
      %max3A_415 = arith.maximumf %max3A_395, %get3A_414 : vector<16xf32>
      %min3A_416 = arith.minimumf %max3A_395, %get3A_414 : vector<16xf32>
      %max3A_417 = arith.maximumf %max3A_397, %min3A_416 : vector<16xf32>
      %min3A_418 = arith.minimumf %max3A_397, %min3A_416 : vector<16xf32>
      %max3A_419 = arith.maximumf %max3A_399, %min3A_418 : vector<16xf32>
      %min3A_420 = arith.minimumf %max3A_399, %min3A_418 : vector<16xf32>
      %max3A_421 = arith.maximumf %max3A_401, %min3A_420 : vector<16xf32>
      %min3A_422 = arith.minimumf %min3A_402, %get3A_414 : vector<16xf32>
      %max3A_423 = arith.maximumf %min3A_402, %get3A_414 : vector<16xf32>
      %min3A_424 = arith.minimumf %min3A_404, %max3A_423 : vector<16xf32>
      %max3A_425 = arith.maximumf %min3A_404, %max3A_423 : vector<16xf32>
      %min3A_426 = arith.minimumf %min3A_406, %max3A_425 : vector<16xf32>
      %max3A_427 = arith.maximumf %min3A_406, %max3A_425 : vector<16xf32>
      %min3A_428 = arith.minimumf %min3A_408, %max3A_427 : vector<16xf32>
      %scan3A_429 = arith.constant 3 : i32
      %scan3A_430 = arith.addi %scan3A_363, %scan3A_429 : i32
      %mul3A_431 = arith.constant 16 : i32
      %mul3A_432 = arith.muli %scan3A_430, %mul3A_431 : i32
      %get3A_433 = arith.index_cast %mul3A_432 : i32 to index
      %get3A_434 = tpu.vector_load %arg5[%get3A_433] {strides = array<i32>} : memref<32768xf32, #tpu.memory_space<vmem>>, vector<16xf32>,
      %max3A_435 = arith.maximumf %max3A_415, %get3A_434 : vector<16xf32>
      %min3A_436 = arith.minimumf %max3A_415, %get3A_434 : vector<16xf32>
      %max3A_437 = arith.maximumf %max3A_417, %min3A_436 : vector<16xf32>
      %min3A_438 = arith.minimumf %max3A_417, %min3A_436 : vector<16xf32>
      %max3A_439 = arith.maximumf %max3A_419, %min3A_438 : vector<16xf32>
      %min3A_440 = arith.minimumf %max3A_419, %min3A_438 : vector<16xf32>
      %max3A_441 = arith.maximumf %max3A_421, %min3A_440 : vector<16xf32>
      %min3A_442 = arith.minimumf %min3A_422, %get3A_434 : vector<16xf32>
      %max3A_443 = arith.maximumf %min3A_422, %get3A_434 : vector<16xf32>
      %min3A_444 = arith.minimumf %min3A_424, %max3A_443 : vector<16xf32>
      %max3A_445 = arith.maximumf %min3A_424, %max3A_443 : vector<16xf32>
      %min3A_446 = arith.minimumf %min3A_426, %max3A_445 : vector<16xf32>
      %max3A_447 = arith.maximumf %min3A_426, %max3A_445 : vector<16xf32>
      %min3A_448 = arith.minimumf %min3A_428, %max3A_447 : vector<16xf32>
      %scan3A_449 = arith.constant 4 : i32
      %scan3A_450 = arith.addi %scan3A_363, %scan3A_449 : i32
      %mul3A_451 = arith.constant 16 : i32
      %mul3A_452 = arith.muli %scan3A_450, %mul3A_451 : i32
      %get3A_453 = arith.index_cast %mul3A_452 : i32 to index
      %get3A_454 = tpu.vector_load %arg5[%get3A_453] {strides = array<i32>} : memref<32768xf32, #tpu.memory_space<vmem>>, vector<16xf32>,
      %max3A_455 = arith.maximumf %max3A_435, %get3A_454 : vector<16xf32>
      %min3A_456 = arith.minimumf %max3A_435, %get3A_454 : vector<16xf32>
      %max3A_457 = arith.maximumf %max3A_437, %min3A_456 : vector<16xf32>
      %min3A_458 = arith.minimumf %max3A_437, %min3A_456 : vector<16xf32>
      %max3A_459 = arith.maximumf %max3A_439, %min3A_458 : vector<16xf32>
      %min3A_460 = arith.minimumf %max3A_439, %min3A_458 : vector<16xf32>
      %max3A_461 = arith.maximumf %max3A_441, %min3A_460 : vector<16xf32>
      %min3A_462 = arith.minimumf %min3A_442, %get3A_454 : vector<16xf32>
      %max3A_463 = arith.maximumf %min3A_442, %get3A_454 : vector<16xf32>
      %min3A_464 = arith.minimumf %min3A_444, %max3A_463 : vector<16xf32>
      %max3A_465 = arith.maximumf %min3A_444, %max3A_463 : vector<16xf32>
      %min3A_466 = arith.minimumf %min3A_446, %max3A_465 : vector<16xf32>
      %max3A_467 = arith.maximumf %min3A_446, %max3A_465 : vector<16xf32>
      %min3A_468 = arith.minimumf %min3A_448, %max3A_467 : vector<16xf32>
      %scan3A_469 = arith.constant 5 : i32
      %scan3A_470 = arith.addi %scan3A_363, %scan3A_469 : i32
      %mul3A_471 = arith.constant 16 : i32
      %mul3A_472 = arith.muli %scan3A_470, %mul3A_471 : i32
      %get3A_473 = arith.index_cast %mul3A_472 : i32 to index
      %get3A_474 = tpu.vector_load %arg5[%get3A_473] {strides = array<i32>} : memref<32768xf32, #tpu.memory_space<vmem>>, vector<16xf32>,
      %max3A_475 = arith.maximumf %max3A_455, %get3A_474 : vector<16xf32>
      %min3A_476 = arith.minimumf %max3A_455, %get3A_474 : vector<16xf32>
      %max3A_477 = arith.maximumf %max3A_457, %min3A_476 : vector<16xf32>
      %min3A_478 = arith.minimumf %max3A_457, %min3A_476 : vector<16xf32>
      %max3A_479 = arith.maximumf %max3A_459, %min3A_478 : vector<16xf32>
      %min3A_480 = arith.minimumf %max3A_459, %min3A_478 : vector<16xf32>
      %max3A_481 = arith.maximumf %max3A_461, %min3A_480 : vector<16xf32>
      %min3A_482 = arith.minimumf %min3A_462, %get3A_474 : vector<16xf32>
      %max3A_483 = arith.maximumf %min3A_462, %get3A_474 : vector<16xf32>
      %min3A_484 = arith.minimumf %min3A_464, %max3A_483 : vector<16xf32>
      %max3A_485 = arith.maximumf %min3A_464, %max3A_483 : vector<16xf32>
      %min3A_486 = arith.minimumf %min3A_466, %max3A_485 : vector<16xf32>
      %max3A_487 = arith.maximumf %min3A_466, %max3A_485 : vector<16xf32>
      %min3A_488 = arith.minimumf %min3A_468, %max3A_487 : vector<16xf32>
      %scan3A_489 = arith.constant 6 : i32
      %scan3A_490 = arith.addi %scan3A_363, %scan3A_489 : i32
      %mul3A_491 = arith.constant 16 : i32
      %mul3A_492 = arith.muli %scan3A_490, %mul3A_491 : i32
      %get3A_493 = arith.index_cast %mul3A_492 : i32 to index
      %get3A_494 = tpu.vector_load %arg5[%get3A_493] {strides = array<i32>} : memref<32768xf32, #tpu.memory_space<vmem>>, vector<16xf32>,
      %max3A_495 = arith.maximumf %max3A_475, %get3A_494 : vector<16xf32>
      %min3A_496 = arith.minimumf %max3A_475, %get3A_494 : vector<16xf32>
      %max3A_497 = arith.maximumf %max3A_477, %min3A_496 : vector<16xf32>
      %min3A_498 = arith.minimumf %max3A_477, %min3A_496 : vector<16xf32>
      %max3A_499 = arith.maximumf %max3A_479, %min3A_498 : vector<16xf32>
      %min3A_500 = arith.minimumf %max3A_479, %min3A_498 : vector<16xf32>
      %max3A_501 = arith.maximumf %max3A_481, %min3A_500 : vector<16xf32>
      %min3A_502 = arith.minimumf %min3A_482, %get3A_494 : vector<16xf32>
      %max3A_503 = arith.maximumf %min3A_482, %get3A_494 : vector<16xf32>
      %min3A_504 = arith.minimumf %min3A_484, %max3A_503 : vector<16xf32>
      %max3A_505 = arith.maximumf %min3A_484, %max3A_503 : vector<16xf32>
      %min3A_506 = arith.minimumf %min3A_486, %max3A_505 : vector<16xf32>
      %max3A_507 = arith.maximumf %min3A_486, %max3A_505 : vector<16xf32>
      %min3A_508 = arith.minimumf %min3A_488, %max3A_507 : vector<16xf32>
      %scan3A_509 = arith.constant 7 : i32
      %scan3A_510 = arith.addi %scan3A_363, %scan3A_509 : i32
      %mul3A_511 = arith.constant 16 : i32
      %mul3A_512 = arith.muli %scan3A_510, %mul3A_511 : i32
      %get3A_513 = arith.index_cast %mul3A_512 : i32 to index
      %get3A_514 = tpu.vector_load %arg5[%get3A_513] {strides = array<i32>} : memref<32768xf32, #tpu.memory_space<vmem>>, vector<16xf32>,
      %max3A_515 = arith.maximumf %max3A_495, %get3A_514 : vector<16xf32>
      %min3A_516 = arith.minimumf %max3A_495, %get3A_514 : vector<16xf32>
      %max3A_517 = arith.maximumf %max3A_497, %min3A_516 : vector<16xf32>
      %min3A_518 = arith.minimumf %max3A_497, %min3A_516 : vector<16xf32>
      %max3A_519 = arith.maximumf %max3A_499, %min3A_518 : vector<16xf32>
      %min3A_520 = arith.minimumf %max3A_499, %min3A_518 : vector<16xf32>
      %max3A_521 = arith.maximumf %max3A_501, %min3A_520 : vector<16xf32>
      %min3A_522 = arith.minimumf %min3A_502, %get3A_514 : vector<16xf32>
      %max3A_523 = arith.maximumf %min3A_502, %get3A_514 : vector<16xf32>
      %min3A_524 = arith.minimumf %min3A_504, %max3A_523 : vector<16xf32>
      %max3A_525 = arith.maximumf %min3A_504, %max3A_523 : vector<16xf32>
      %min3A_526 = arith.minimumf %min3A_506, %max3A_525 : vector<16xf32>
      %max3A_527 = arith.maximumf %min3A_506, %max3A_525 : vector<16xf32>
      %min3A_528 = arith.minimumf %min3A_508, %max3A_527 : vector<16xf32>
      scf.yield %max3A_515, %max3A_517, %max3A_519, %max3A_521, %min3A_522, %min3A_524, %min3A_526, %min3A_528 : vector<16xf32>, vector<16xf32>, vector<16xf32>, vector<16xf32>, vector<16xf32>, vector<16xf32>, vector<16xf32>, vector<16xf32>
    }
    %scan3A_295 = arith.constant 2048 : i32
    %masked_sort3A_296 = arith.constant dense<true> : vector<16xi1>
    %masked_sort3A_297, %masked_sort3A_298, %masked_sort3A_299 = tpu.sort %scan3A_294#0, %scan3A_294#0 masked %masked_sort3A_296 {descending = true} : (vector<16xf32>, vector<16xf32>, vector<16xi1>) -> (vector<16xi1>, vector<16xf32>, vector<16xf32>)
    %masked_sort3A_300 = arith.constant dense<true> : vector<16xi1>
    %masked_sort3A_301, %masked_sort3A_302, %masked_sort3A_303 = tpu.sort %scan3A_294#1, %scan3A_294#1 masked %masked_sort3A_300 : (vector<16xf32>, vector<16xf32>, vector<16xi1>) -> (vector<16xi1>, vector<16xf32>, vector<16xf32>)
    %max3A_304 = arith.maximumf %masked_sort3A_298, %masked_sort3A_302 : vector<16xf32>
    %masked_sort3A_305 = arith.constant dense<true> : vector<16xi1>
    %masked_sort3A_306, %masked_sort3A_307, %masked_sort3A_308 = tpu.sort %scan3A_294#2, %scan3A_294#2 masked %masked_sort3A_305 {descending = true} : (vector<16xf32>, vector<16xf32>, vector<16xi1>) -> (vector<16xi1>, vector<16xf32>, vector<16xf32>)
    %masked_sort3A_309 = arith.constant dense<true> : vector<16xi1>
    %masked_sort3A_310, %masked_sort3A_311, %masked_sort3A_312 = tpu.sort %scan3A_294#3, %scan3A_294#3 masked %masked_sort3A_309 : (vector<16xf32>, vector<16xf32>, vector<16xi1>) -> (vector<16xi1>, vector<16xf32>, vector<16xf32>)
    %max3A_313 = arith.maximumf %masked_sort3A_307, %masked_sort3A_311 : vector<16xf32>
    %masked_sort3A_314 = arith.constant dense<true> : vector<16xi1>
    %masked_sort3A_315, %masked_sort3A_316, %masked_sort3A_317 = tpu.sort %max3A_304, %max3A_304 masked %masked_sort3A_314 {descending = true} : (vector<16xf32>, vector<16xf32>, vector<16xi1>) -> (vector<16xi1>, vector<16xf32>, vector<16xf32>)
    %masked_sort3A_318 = arith.constant dense<true> : vector<16xi1>
    %masked_sort3A_319, %masked_sort3A_320, %masked_sort3A_321 = tpu.sort %max3A_313, %max3A_313 masked %masked_sort3A_318 : (vector<16xf32>, vector<16xf32>, vector<16xi1>) -> (vector<16xi1>, vector<16xf32>, vector<16xf32>)
    %max3A_322 = arith.maximumf %masked_sort3A_316, %masked_sort3A_320 : vector<16xf32>
    %masked_sort3A_323 = arith.constant dense<true> : vector<16xi1>
    %masked_sort3A_324, %masked_sort3A_325, %masked_sort3A_326 = tpu.sort %max3A_322, %max3A_322 masked %masked_sort3A_323 {descending = true} : (vector<16xf32>, vector<16xf32>, vector<16xi1>) -> (vector<16xi1>, vector<16xf32>, vector<16xf32>)
    %masked_sort3A_327 = arith.constant dense<true> : vector<16xi1>
    %masked_sort3A_328, %masked_sort3A_329, %masked_sort3A_330 = tpu.sort %scan3A_294#4, %scan3A_294#4 masked %masked_sort3A_327 : (vector<16xf32>, vector<16xf32>, vector<16xi1>) -> (vector<16xi1>, vector<16xf32>, vector<16xf32>)
    %masked_sort3A_331 = arith.constant dense<true> : vector<16xi1>
    %masked_sort3A_332, %masked_sort3A_333, %masked_sort3A_334 = tpu.sort %scan3A_294#5, %scan3A_294#5 masked %masked_sort3A_331 {descending = true} : (vector<16xf32>, vector<16xf32>, vector<16xi1>) -> (vector<16xi1>, vector<16xf32>, vector<16xf32>)
    %min3A_335 = arith.minimumf %masked_sort3A_329, %masked_sort3A_333 : vector<16xf32>
    %masked_sort3A_336 = arith.constant dense<true> : vector<16xi1>
    %masked_sort3A_337, %masked_sort3A_338, %masked_sort3A_339 = tpu.sort %scan3A_294#6, %scan3A_294#6 masked %masked_sort3A_336 : (vector<16xf32>, vector<16xf32>, vector<16xi1>) -> (vector<16xi1>, vector<16xf32>, vector<16xf32>)
    %masked_sort3A_340 = arith.constant dense<true> : vector<16xi1>
    %masked_sort3A_341, %masked_sort3A_342, %masked_sort3A_343 = tpu.sort %scan3A_294#7, %scan3A_294#7 masked %masked_sort3A_340 {descending = true} : (vector<16xf32>, vector<16xf32>, vector<16xi1>) -> (vector<16xi1>, vector<16xf32>, vector<16xf32>)
    %min3A_344 = arith.minimumf %masked_sort3A_338, %masked_sort3A_342 : vector<16xf32>
    %masked_sort3A_345 = arith.constant dense<true> : vector<16xi1>
    %masked_sort3A_346, %masked_sort3A_347, %masked_sort3A_348 = tpu.sort %min3A_335, %min3A_335 masked %masked_sort3A_345 : (vector<16xf32>, vector<16xf32>, vector<16xi1>) -> (vector<16xi1>, vector<16xf32>, vector<16xf32>)
    %masked_sort3A_349 = arith.constant dense<true> : vector<16xi1>
    %masked_sort3A_350, %masked_sort3A_351, %masked_sort3A_352 = tpu.sort %min3A_344, %min3A_344 masked %masked_sort3A_349 {descending = true} : (vector<16xf32>, vector<16xf32>, vector<16xi1>) -> (vector<16xi1>, vector<16xf32>, vector<16xf32>)
    %min3A_353 = arith.minimumf %masked_sort3A_347, %masked_sort3A_351 : vector<16xf32>
    %masked_sort3A_354 = arith.constant dense<true> : vector<16xi1>
    %masked_sort3A_355, %masked_sort3A_356, %masked_sort3A_357 = tpu.sort %min3A_353, %min3A_353 masked %masked_sort3A_354 : (vector<16xf32>, vector<16xf32>, vector<16xi1>) -> (vector<16xi1>, vector<16xf32>, vector<16xf32>)
    %add3A_358 = arith.addf %masked_sort3A_325, %masked_sort3A_356 : vector<16xf32>
    %swap3A_359 = arith.constant 3 : i32
    %swap3A_360 = arith.index_cast %swap3A_359 : i32 to index
    %swap3A_361 = arith.constant 0 : index
    %swap3A_362 = tpu.vector_load %arg6[%swap3A_360, %swap3A_361] {strides = array<i32>} : memref<4x16xf32, #tpu.memory_space<vmem>>, vector<16xf32>,
    tpu.vector_store %arg6[%swap3A_360, %swap3A_361], %add3A_358 {strides = array<i32>} : memref<4x16xf32, #tpu.memory_space<vmem>>, vector<16xf32>,
    "tpu.region"() ({
      %run_scoped3A = tpu.sem_alloc : memref<!tpu.dma_semaphore, #tpu.memory_space<semaphore_mem>>
      %dma_start3A_363 = arith.constant 0 : i32
      %dma_start3A_364 = tpu.memref_slice %arg3[%mul3A_2, %dma_start3A_363] : memref<128x16xf32, #tpu.memory_space<hbm>> -> memref<4x16xf32, #tpu.memory_space<hbm>>
      %dma_start3A_365 = arith.constant 0 : i32
      %dma_start3A_366 = tpu.memref_slice %arg3[%mul3A_2, %dma_start3A_365] : memref<128x16xf32, #tpu.memory_space<hbm>> -> memref<4x16xf32, #tpu.memory_space<hbm>>
      tpu.enqueue_dma source(%arg6 : memref<4x16xf32, #tpu.memory_space<vmem>>) target(%dma_start3A_366 : memref<4x16xf32, #tpu.memory_space<hbm>>) target_semaphore(%run_scoped3A : memref<!tpu.dma_semaphore, #tpu.memory_space<semaphore_mem>>)
      %dma_wait3A_367 = arith.constant 0 : i32
      %dma_wait3A_368 = tpu.memref_slice %arg3[%mul3A_2, %dma_wait3A_367] : memref<128x16xf32, #tpu.memory_space<hbm>> -> memref<4x16xf32, #tpu.memory_space<hbm>>
      %dma_wait3A_369 = arith.constant 0 : i32
      %dma_wait3A_370 = tpu.memref_slice %arg3[%mul3A_2, %dma_wait3A_369] : memref<128x16xf32, #tpu.memory_space<hbm>> -> memref<4x16xf32, #tpu.memory_space<hbm>>
      tpu.wait_dma2 semaphore(%run_scoped3A : memref<!tpu.dma_semaphore, #tpu.memory_space<semaphore_mem>>) src(%arg6 : memref<4x16xf32, #tpu.memory_space<vmem>>) dst(%dma_wait3A_370 : memref<4x16xf32, #tpu.memory_space<hbm>>)
      tpu.yield
    }) : () -> ()
    return
  }
}

</mosaic_0001>

<sc_bundles>
// kernel: kernel.3.cloned.1.call-start
scs
__scs_entry_jumppad:
0x0: {  	(pc) =	sbr.rel $0x88, $3  }
0x1: {  	(tag) =	ssettag $0x0;
	lr =	simm.s32 $0x1  }
0x2: {  	[smem:$0x3FA0] =	sst lr;
	_ =	strace $0xD0000000  }
0x3: {  	_ = 	snop  }
0x4: {  	_ = 	snop  }
0x5: {  	_ = 	snop  }
0x6: {  	_ = 	snop  }
0x7: {  	_ = 	snop  }
__scs_overlays_trampoline_lowered:
0x8: {  	[smem:$0x3FAF] =	sst s0  }
0x9: {  	[smem:$0x3FB0] =	sst s1  }
0xa: {  	[smem:$0x3FB1] =	sst s2  }
0xb: {  	[smem:$0x3FB2] =	sst s3  }
0xc: {  	[smem:$0x3FB3] =	sst s4  }
0xd: {  	[smem:$0x3FB4] =	sst s5  }
0xe: {  	[smem:$0x3FB5] =	sst s6  }
0xf: {  	[smem:$0x3FB6] =	sst s7  }
0x10: {  	[smem:$0x3FB7] =	sst s8  }
0x11: {  	[smem:$0x3FB8] =	sst s9;
	s0 =	simm.s32 @!p0 $0x0  }
0x12: {  	s1 =	sld [smem:$0x3F9E];
	s0 =	simm.s32 @p0 $0x1  }
0x13: {  	[smem:$0x3FB9] =	sst s0;
	s0 =	simm.s32 @!p1 $0x0  }
0x14: {  	s2 =	sld [smem:$0x3F9D];
	s0 =	simm.s32 @p1 $0x1  }
0x15: {  	[smem:$0x3FBA] =	sst s0;
	s0 =	simm.s32 @!p2 $0x0  }
0x16: {  	s3 =	sld [smem:$0x3FDB];
	s0 =	simm.s32 @p2 $0x1  }
0x17: {  	s4 =	simm.s32 $0x1BF5;
	[smem:$0x3FBC] =	sst s0  }
0x18: {  	s0 =	sld [smem:$0x3F9F];
	_ =	swait.ge [sflag:s4], $0x0  }
0x19: {  	s7 =	sld [smem:$0x3FA0]  }
0x1a: {  	s8 =	sadd.s32 $0xFFFFE003, lr  }
0x1b: {  	s9 =	sadd.s32 $0xFFFFFEF7, lr;
	s5 =	simm.s32 $0xFFFFFFFF;
	p2 =	slt.u32 s8, $0xFFFFF086  }
0x1c: {  	p1 =	slt.u32 s9, $0xF7A;
	s5 =	simm.s32 @!p2 $0x0  }
0x1d: {  	s5 =	simm.s32 @p1 $0x1;
	p0 =	seq.s32 s7, s2  }
0x1e: {  	s7 =	smul.u32 @!p0 $0xF7A, s2;
	p2 =	seq.s32 @!p0 s5, $0x0  }
0x1f: {  	s9 =	smul.u32 $0xF7A, s1;
	s8 =	simm.s32 @!p0 $0x1BF5;
	p2 =	por !p2, p0  }
0x20: {  	[sflag:s8] =	ssyncset.s32 @!p0 $0xFFFFF086;
	s6 =	sadd.s32 @!p0 s3, s7;
	s7 =	simm.s32 @!p0 $0x108  }
0x21: {  	s3 =	sadd.s32 s3, s9;
	s6 =	sadd.s32 @!p0 $0x88, s6;
	s7 =	simm.s32 @p2 $0x1082  }
0x22: {  	[simem:s7], [sflag:s8] =	dma.local @!p0 [hbm:s6], $0xF7A  }
0x23: {  	s9 =	sor.u32 $0xD0000000, s2;
	s6 =	simm.s32 $0x108;
	_ =	swait.ge @!p0 [sflag:s8], $0x0  }
0x24: {  	s3 =	sadd.s32 $0x88, s3;
	s6 =	simm.s32 @!p1 $0x1082;
	[sflag:s4] =	ssyncset.s32 $0xFFFFF086  }
0x25: {  	[simem:s6], [sflag:s4] =	dma.local [hbm:s3], $0xF7A  }
0x26: {  	[smem:$0x3FA0] =	sst s1;
	(tag) =	ssettag s2;
	_ =	strace s9  }
0x27: {  	s1 =	sld [smem:$0x3FB0]  }
0x28: {  	s2 =	sld [smem:$0x3FB1]  }
0x29: {  	s4 =	sld [smem:$0x3FB3]  }
0x2a: {  	p0 =	seq.s32 s5, $0x0;
	s5 =	sld [smem:$0x3FB4]  }
0x2b: {  	s6 =	sld [smem:$0x3FB5]  }
0x2c: {  	s7 =	sld [smem:$0x3FB6]  }
0x2d: {  	s3 =	simm.s32 $0x108;
	s8 =	sld [smem:$0x3FB7]  }
0x2e: {  	s3 =	simm.s32 @!p0 $0x1082;
	s9 =	sld [smem:$0x3FB8]  }
0x2f: {  	lr =	sadd.s32 s0, s3;
	s0 =	sld [smem:$0x3FAF]  }
0x30: {  	s3 =	sld [smem:$0x3FB2]  }
0x31: {  	[smem:$0x3FBB] =	sst s10  }
0x32: {  	s10 =	sld [smem:$0x3FB9];
	_ =	sdelay $0x3  }
0x33: {  	p0 =	seq.s32 s10, $0x1;
	s10 =	sld [smem:$0x3FBB];
	_ =	sdelay $0x3  }
0x34: {  	[smem:$0x3FBB] =	sst s10  }
0x35: {  	s10 =	sld [smem:$0x3FBA];
	_ =	sdelay $0x3  }
0x36: {  	p1 =	seq.s32 s10, $0x1;
	s10 =	sld [smem:$0x3FBB];
	_ =	sdelay $0x3  }
0x37: {  	[smem:$0x3FBB] =	sst s10  }
0x38: {  	s10 =	sld [smem:$0x3FBC]  }
0x39: {  	_ = 	snop;
	(pc) =	sbr.ind lr, $3  }
0x3a: {  	_ = 	snop  }
0x3b: {  	_ = 	snop  }
0x3c: {  	p2 =	seq.s32 s10, $0x1;
	s10 =	sld [smem:$0x3FBB]  }
0x3d: {  	_ =	shalt  }
0x3e: {  	_ =	shalt  }
0x3f: {  	_ =	shalt  }
0x40: {  	_ =	shalt  }
0x41: {  	_ =	shalt  }
0x42: {  	_ =	shalt  }
0x43: {  	_ =	shalt  }
0x44: {  	_ =	shalt  }
0x45: {  	_ =	shalt  }
0x46: {  	_ =	shalt  }
0x47: {  	_ =	shalt  }
0x48: {  	_ =	shalt  }
0x49: {  	_ =	shalt  }
0x4a: {  	_ =	shalt  }
0x4b: {  	_ =	shalt  }
0x4c: {  	_ =	shalt  }
0x4d: {  	_ =	shalt  }
0x4e: {  	_ =	shalt  }
0x4f: {  	_ =	shalt  }
0x50: {  	_ =	shalt  }
0x51: {  	_ =	shalt  }
0x52: {  	_ =	shalt  }
0x53: {  	_ =	shalt  }
0x54: {  	_ =	shalt  }
0x55: {  	_ =	shalt  }
0x56: {  	_ =	shalt  }
0x57: {  	_ =	shalt  }
0x58: {  	_ =	shalt  }
0x59: {  	_ =	shalt  }
0x5a: {  	_ =	shalt  }
0x5b: {  	_ =	shalt  }
0x5c: {  	_ =	shalt  }
0x5d: {  	_ =	shalt  }
0x5e: {  	_ =	shalt  }
0x5f: {  	_ =	shalt  }
0x60: {  	_ =	shalt  }
0x61: {  	_ =	shalt  }
0x62: {  	_ =	shalt  }
0x63: {  	_ =	shalt  }
0x64: {  	_ =	shalt  }
0x65: {  	_ =	shalt  }
0x66: {  	_ =	shalt  }
0x67: {  	_ =	shalt  }
0x68: {  	_ =	shalt  }
0x69: {  	_ =	shalt  }
0x6a: {  	_ =	shalt  }
0x6b: {  	_ =	shalt  }
0x6c: {  	_ =	shalt  }
0x6d: {  	_ =	shalt  }
0x6e: {  	_ =	shalt  }
0x6f: {  	_ =	shalt  }
0x70: {  	_ =	shalt  }
0x71: {  	_ =	shalt  }
0x72: {  	_ =	shalt  }
0x73: {  	_ =	shalt  }
0x74: {  	_ =	shalt  }
0x75: {  	_ =	shalt  }
0x76: {  	_ =	shalt  }
0x77: {  	_ =	shalt  }
0x78: {  	_ =	shalt  }
0x79: {  	_ =	shalt  }
0x7a: {  	_ =	shalt  }
0x7b: {  	_ =	shalt  }
0x7c: {  	_ =	shalt  }
0x7d: {  	_ =	shalt  }
0x7e: {  	_ =	shalt  }
0x7f: {  	_ =	shalt  }
0x80: {  	_ =	shalt  }
0x81: {  	_ =	shalt  }
0x82: {  	_ =	shalt  }
0x83: {  	_ =	shalt  }
0x84: {  	_ =	shalt  }
0x85: {  	_ =	shalt  }
0x86: {  	_ =	shalt  }
0x87: {  	_ =	shalt  }
.Lfunc_end0:
.L_simem_size_0:
called_computation_lowered:
.L_overlay_start_0:
0x88: {  	s2 =	sld [smem:$0x3FD9]  }
0x89: {  	s3 =	sld [smem:$0x3FFE];
	_ =	sdelay $0x1  }
0x8a: {  	s1 =	srdreg.scid  }
0x8b: {  	s0 =	sand.u32 $0x1, s1  }
0x8c: {  	s17 =	sshll.u32 s0, $0xA;
	s2 =	sadd.s32 s3, s2  }
0x8d: {  	s2 =	sadd.s32 s2, s17  }
0x8e: {  	[smem:$0x3FC7] =	sst s2  }
0x8f: {  	_ = 	snop  }
0x90: {  	s2 =	sld [smem:$0x3FC9];
	(tm) =	ssettm $0x1  }
0x91: {  	s18 =	sld [smem:$0x3FFB];
	_ =	sdelay $0x3  }
0x92: {  	_ =	strace s18  }
0x93: {  	s3 =	sld [smem:$0x3FFC];
	_ =	sdelay $0x3  }
0x94: {  	_ =	strace s3  }
0x95: {  	s3 =	sld [smem:$0x3FFD];
	_ =	sdelay $0x3  }
0x96: {  	_ =	strace s3  }
0x97: {  	_ =	strace $0x8FFFFFFF  }
0x98: {  	s19 =	sld [smem:$0x3FDB];
	_ =	sdelay $0x1  }
0x99: {  	s4 =	simm.s32 $_scs_section_size  }
0x9a: {  	s5 =	simm.s32 $_size__tile_overlayer_lowered;
	s6 =	simm.s32 $_tile_overlayer_lowered  }
0x9b: {  	s22 =	simm.s32 $0x1BFF;
	s21 =	sshll.u32 s6, $0x1;
	s3 =	sadd.s32 s4, s19  }
0x9c: {  	s7 =	simm.s32 $0x0;
	s20 =	sshll.u32 s5, $0x1;
	s5 =	sadd.s32 s21, s3  }
0x9d: {  	[timem:s7], [sflag:s22] =	dma.local [hbm:s5], s20  }
0x9e: {  	_ =	swait.ge [sflag:s22], s20  }
0x9f: {  	s4 =	ssub.s32 $0x0, s20;
	[sflag:s22] =	ssyncset.done $0x0  }
0xa0: {  	[sflag:s22] =	ssyncadd.s32 s4;
	_ =	sdelay $0x1  }
0xa1: {  	s23 =	simm.s32 $0x1B8B  }
0xa2: {  	_ =	swait.ge [sflag:s23], $0x1  }
0xa3: {  	[sflag:s23] =	ssyncset.done $0x0  }
0xa4: {  	s25 =	simm.s32 $0x1B8E;
	s24 =	sld [smem:$0x3FFE];
	[sflag:s23] =	ssyncadd.s32 $0xFFFFFFFF  }
0xa5: {  	s26 =	simm.s32 $execute0_lowered;
	[smem:$0x3FD2] =	sst s25  }
0xa6: {  	s5 =	sshll.u32 s26, $0x1;
	_ =	strace $0x80000046;
	[dreg:$0x1] =	wrdreg $0xFFFFFFFF  }
0xa7: {  	s28 =	simm.s32 $_size_execute0_lowered;
	s3 =	sadd.s32 s3, s5;
	[dreg:$0x0] =	wrdreg $0x0  }
0xa8: {  	s5 =	sshll.u32 s28, $0x1;
	[dreg:$0x2] =	wrdreg s3  }
0xa9: {  	[dreg:$0x3] =	wrdreg s5  }
0xaa: {  	[dreg:$0x4] =	wrdreg $0xC0  }
0xab: {  	_ =	task [dreg:s7], $0x5FFFF  }
0xac: {  	[dreg:$0x1] =	wrdreg $0xFFFFFFFF  }
0xad: {  	[dreg:$0x0] =	wrdreg $0x60  }
0xae: {  	[dreg:$0x2] =	wrdreg s2  }
0xaf: {  	[dreg:$0x3] =	wrdreg s24  }
0xb0: {  	[dreg:$0x4] =	wrdreg $0x9  }
0xb1: {  	_ =	task.clear_ibuf [dreg:s7], $0x5FFFF;
	_ =	strace $0x90000046  }
0xb2: {  	s29 =	simm.s32 $0x9;
	_ =	strace $0x80000048  }
0xb3: {  	_ =	swait.ge [sflag:s29], $0x1  }
0xb4: {  	[sflag:s29] =	ssyncadd.s32 $0xFFFFFFFF  }
0xb5: {  	_ =	strace $0x90000048  }
0xb6: {  	_ =	sfence  }
0xb7: {  	s30 =	sld [smem:$0x0];
	_ =	sdelay $0x2  }
0xb8: {  	s31 =	sshll.u32 s1, $0xD;
	s1 =	sshrl.u32 s1, $0x2  }
0xb9: {  	s3 =	sand.u32 $0x4000, s31;
	s1 =	sadd.s32 s1, s30  }
0xba: {  	s0 =	sor.u32 s3, s0;
	s1 =	sshll.u32 s1, $0x11  }
0xbb: {  	s0 =	sor.u32 s1, s0  }
0xbc: {  	s0 =	sadd.s32 $0x8F2B, s0  }
0xbd: {  	[sflag:s0] =	ssyncadd.remote.s32 $0x1  }
0xbe: {  	_ =	sfence.sel $0xFFFF  }
0xbf: {  	[dreg:$0x0] =	wrdreg $0xFFFFFFFF;
	(pc) =	sbr.abs _section_cstart, $3  }
0xc0: {  	[dreg:$0x1] =	wrdreg $0xFFFFFFFF  }
0xc1: {  	_ =	task.clear_ibuf [dreg:s7], $0x2FFFF;
	_ =	strace $0x9FFFFFFF  }
0xc2: {  	(tm) =	ssettm $0x7FFFFFFF  }
0xc3: {  	_ =	shalt  }
tec
execute0_lowered:
.L_overlay_start_1:
0x0: {  	(tag) =	ssettag $0x1  }
0x1: {  	s3 =	rddreg [dreg:$0x0]  }
0x2: {  	s4 =	rddreg [dreg:$0x1]  }
0x3: {  	s0 =	rddreg [dreg:$0x2];
	s5 =	srdreg.scid  }
0x4: {  	s2 =	simm.s32 $0x0;
	s1 =	stileid.u32;
	s9 =	simm.s32 $0x80  }
0x5: {  	s10 =	simm.s32 $0x400;
	s11 =	simm.s32 $0x8000;
	s12 =	simm.s32 $0x1  }
0x6: {  	s13 =	simm.s32 $0x2;
	s14 =	simm.s32 $0x10000;
	s15 =	simm.s32 $0x3  }
0x7: {  	s16 =	simm.s32 $0x0;
	s5 =	sand.u32 $0x1, s5;
	[smem:$0x7FF] =	sst s2  }
0x8: {  	s7 =	sshll.u32 s1, $0x12;
	s8 =	sshll.u32 s1, $0xA;
	s6 =	sshll.u32 s5, $0x9  }
0x9: {  	_ =	strace $0x80000047;
	s5 =	ssub.s32 $0x2, s5;
	s7 =	sor.u32 s6, s7  }
0xa: {  	s6 =	sor.u32 s6, s8;
	s30 =	sshrl.u32 s5, $0x1;
	s7 =	sshrl.u32 s7, $0x3  }
0xb: {  	s6 =	sshrl.u32 s6, $0x3;
	s8 =	ssub.s32 s5, s30;
	s3 =	sadd.s32 s3, s7  }
0xc: {  	s31 =	sadd.s32 s6, s4;
	s8 =	smax.u32 s8, $0x1;
	s4 =	sadd.s32 $0x10, s3  }
0xd: {  	s5 =	sadd.s32 $0x20, s3;
	s6 =	sadd.s32 $0x30, s3;
	s7 =	sadd.s32 $0x400, s31  }
.LBB2_1:
0xe: {  	[tilespmem:s2], [sflag:$0x1] =	stream.strided.gather [hbm4b:s3+s9], $0x8000, s10, s9, $0x38;
	[tilespmem:$0x10200] =	vst v63  }
0xf: {  	_ = 	snop  }
0x10: {  	[tilespmem:s11], [sflag:$0x2] =	stream.strided.gather [hbm4b:s4+s9], $0x8000, s10, s9, $0x38;
	[tilespmem:$0x10200] =	vst v63  }
0x11: {  	_ =	swait.ge [sflag:s12], $0x8000  }
0x12: {  	[sflag:s12] =	ssyncset.done $0x0  }
0x13: {  	s17 =	simm.s32 $0x40;
	[sflag:s12] =	ssyncadd.s32 $0xFFFF8000  }
0x14: {  	v0 =	vld [tilespmem:s17+$0xFFFFFFC0];
	_ =	sdelay $0x1  }
0x15: {  	v1 =	vld [tilespmem:s17+$0xFFFFFFD0];
	_ =	sdelay $0x1  }
0x16: {  	v2 =	vimm.f32 $-Inf;
	v3 =	vimm.f32 $+Inf  }
0x17: {  	v4 =	vmax.f32 v2, v0;
	v5 =	vmin.f32 v2, v0;
	v6 =	vmin.f32 v3, v0  }
0x18: {  	v7 =	vld [tilespmem:s17+$0xFFFFFFE0];
	v0 =	vmax.f32 v3, v0;
	v8 =	vmax.f32 v2, v5;
	v5 =	vmin.f32 v2, v5  }
0x19: {  	v9 =	vmin.f32 v3, v0;
	v0 =	vmax.f32 v3, v0;
	v10 =	vmax.f32 v6, v1  }
0x1a: {  	v11 =	vld [tilespmem:s17+$0xFFFFFFF0];
	v12 =	vmin.f32 v4, v1;
	v6 =	vmin.f32 v6, v1;
	v16 =	vmax.f32 v4, v1  }
0x1b: {  	v13 =	vmax.f32 v9, v10;
	v14 =	vmin.f32 v3, v0;
	v15 =	vmax.f32 v8, v12  }
0x1c: {  	v8 =	vmin.f32 v8, v12;
	v12 =	vmax.f32 v2, v5;
	v1 =	vmin.f32 v9, v10  }
0x1d: {  	v9 =	vld [tilespmem:s17+$0x0];
	v10 =	vmin.f32 v6, v7;
	v6 =	vmax.f32 v6, v7;
	v0 =	vmax.f32 v3, v0  }
0x1e: {  	v5 =	vmin.f32 v2, v5;
	v63 =	vmax.f32 v16, v7;
	v7 =	vmin.f32 v16, v7  }
0x1f: {  	v17 =	vld [tilespmem:s17+$0x10];
	v4 =	vmin.f32 v12, v8;
	v8 =	vmax.f32 v12, v8;
	v12 =	vmin.f32 v10, v11  }
0x20: {  	v10 =	vmax.f32 v10, v11;
	v18 =	vmin.f32 v1, v6;
	v1 =	vmax.f32 v1, v6  }
0x21: {  	v0 =	vmin.f32 v3, v0;
	v3 =	vmin.f32 v14, v13;
	v2 =	vmax.f32 v2, v5  }
0x22: {  	v19 =	vld [tilespmem:s17+$0x20];
	v16 =	vmax.f32 v15, v7;
	v7 =	vmin.f32 v15, v7;
	v5 =	vmin.f32 v12, v9  }
0x23: {  	v6 =	vmax.f32 v12, v9;
	v12 =	vmax.f32 v2, v4;
	v2 =	vmin.f32 v18, v10  }
0x24: {  	v4 =	vmax.f32 v18, v10;
	v10 =	vmax.f32 v14, v13;
	v13 =	vmin.f32 v5, v17  }
0x25: {  	v5 =	vmax.f32 v5, v17;
	v0 =	vmin.f32 v0, v10;
	v10 =	vmin.f32 v3, v1  }
0x26: {  	v3 =	vmax.f32 v3, v1;
	v14 =	vmin.f32 v2, v6;
	v2 =	vmax.f32 v2, v6  }
0x27: {  	v6 =	vmax.f32 v13, v19;
	v18 =	vmax.f32 v10, v4;
	v20 =	vmin.f32 v14, v5  }
0x28: {  	v5 =	vmax.f32 v14, v5;
	v10 =	vmin.f32 v10, v4;
	v0 =	vmin.f32 v0, v3  }
0x29: {  	v1 =	vld [tilespmem:s17+$0x30];
	v4 =	vmin.f32 v13, v19;
	v14 =	vmin.f32 v20, v6;
	v6 =	vmax.f32 v20, v6  }
0x2a: {  	v61 =	vmin.f32 v10, v2;
	v13 =	vmin.f32 v0, v18;
	v2 =	vmax.f32 v10, v2  }
0x2b: {  	v62 =	vmin.f32 v61, v5;
	v10 =	vmax.f32 v61, v5;
	v13 =	vmin.f32 v13, v2  }
0x2c: {  	v3 =	vmin.f32 v62, v6;
	v6 =	vmax.f32 v62, v6;
	v10 =	vmin.f32 v13, v10  }
0x2d: {  	v13 =	vmax.f32 v8, v7;
	v7 =	vmin.f32 v8, v7;
	v8 =	vmin.f32 v63, v11  }
0x2e: {  	v21 =	vmax.f32 v4, v1;
	v0 =	vmin.f32 v4, v1;
	v6 =	vmin.f32 v10, v6  }
0x2f: {  	v10 =	vmax.f32 v12, v7;
	v4 =	vmax.f32 v14, v21;
	v2 =	vmin.f32 v14, v21  }
0x30: {  	v14 =	vmax.f32 v63, v11;
	v11 =	vmax.f32 v16, v8;
	v8 =	vmin.f32 v16, v8  }
0x31: {  	v5 =	vmax.f32 v3, v4;
	v12 =	vmax.f32 v14, v9;
	v9 =	vmin.f32 v14, v9  }
0x32: {  	v14 =	vmax.f32 v13, v8;
	v8 =	vmin.f32 v13, v8;
	v13 =	vmax.f32 v12, v17  }
0x33: {  	v15 =	vmin.f32 v11, v9;
	v9 =	vmax.f32 v11, v9;
	v12 =	vmin.f32 v12, v17  }
0x34: {  	v8 =	vmax.f32 v10, v8;
	v7 =	vmax.f32 v13, v19;
	v13 =	vmin.f32 v13, v19  }
0x35: {  	v11 =	vmax.f32 v14, v15;
	v10 =	vmax.f32 v9, v12;
	v12 =	vmin.f32 v9, v12  }
0x36: {  	v14 =	vmin.f32 v14, v15;
	v9 =	vmax.f32 v11, v12;
	v11 =	vmin.f32 v11, v12  }
0x37: {  	s18 =	simm.s32 $0xC0;
	s17 =	simm.s32 $0x0;
	v12 =	vmax.f32 v8, v14;
	v8 =	vmax.f32 v10, v13;
	v10 =	vmin.f32 v10, v13  }
.LBB2_2:
0x38: {  	v13 =	vld [tilespmem:s18+$0xFFFFFFC0];
	s17 =	sadd.s32 $0x8, s17;
	v14 =	vmax.f32 v7, v1;
	v3 =	vmin.f32 v3, v4  }
0x39: {  	v4 =	vmax.f32 v12, v11;
	v1 =	vmin.f32 v7, v1;
	v5 =	vmin.f32 v6, v5;
	p0 =	slt.u32 s17, $0x7F8  }
0x3a: {  	v7 =	vmax.f32 v9, v10;
	v9 =	vmin.f32 v9, v10;
	v10 =	vmin.f32 v8, v1;
	v6 =	vld [tilespmem:s18+$0xFFFFFFD0]  }
0x3b: {  	v4 =	vmax.f32 v4, v9;
	v9 =	vmax.f32 v7, v10;
	v7 =	vmin.f32 v7, v10  }
0x3c: {  	v1 =	vmax.f32 v8, v1;
	v4 =	vmax.f32 v4, v7;
	v10 =	vld [tilespmem:s18+$0xFFFFFFE0]  }
0x3d: {  	v7 =	vmax.f32 v14, v13;
	v8 =	vmin.f32 v14, v13;
	v11 =	vmin.f32 v0, v13  }
0x3e: {  	v0 =	vmax.f32 v0, v13;
	v12 =	vmax.f32 v1, v8;
	v1 =	vmin.f32 v1, v8  }
0x3f: {  	v8 =	vmin.f32 v2, v0;
	v0 =	vmax.f32 v2, v0;
	v2 =	vmax.f32 v11, v6;
	v13 =	vld [tilespmem:s18+$0xFFFFFFF0]  }
0x40: {  	v14 =	vmin.f32 v7, v6;
	v11 =	vmin.f32 v11, v6;
	v15 =	vmax.f32 v8, v2  }
0x41: {  	v16 =	vmin.f32 v3, v0;
	v17 =	vmax.f32 v12, v14;
	v12 =	vmin.f32 v12, v14  }
0x42: {  	v6 =	vmax.f32 v7, v6;
	v14 =	vmax.f32 v9, v1;
	v2 =	vmin.f32 v8, v2;
	v7 =	vld [tilespmem:s18+$0x0]  }
0x43: {  	v8 =	vmin.f32 v14, v12;
	v18 =	vmin.f32 v11, v10;
	v11 =	vmax.f32 v11, v10  }
0x44: {  	v12 =	vmax.f32 v14, v12;
	v14 =	vmin.f32 v18, v13;
	v18 =	vmax.f32 v18, v13;
	v19 =	vld [tilespmem:s18+$0x10]  }
0x45: {  	v0 =	vmax.f32 v3, v0;
	v3 =	vmin.f32 v2, v11;
	v2 =	vmax.f32 v2, v11  }
0x46: {  	v1 =	vmin.f32 v9, v1;
	v0 =	vmin.f32 v5, v0;
	v5 =	vmin.f32 v16, v15;
	v9 =	vld [tilespmem:s18+$0x20]  }
0x47: {  	v1 =	vmax.f32 v4, v1;
	v4 =	vmin.f32 v14, v7;
	v11 =	vmax.f32 v14, v7  }
0x48: {  	v8 =	vmax.f32 v1, v8;
	v14 =	vmin.f32 v3, v18;
	v3 =	vmax.f32 v3, v18  }
0x49: {  	v1 =	vmax.f32 v16, v15;
	v15 =	vmin.f32 v4, v19;
	v4 =	vmax.f32 v4, v19  }
0x4a: {  	v0 =	vmin.f32 v0, v1;
	v16 =	vmin.f32 v5, v2;
	v2 =	vmax.f32 v5, v2;
	v1 =	vld [tilespmem:s18+$0x30]  }
0x4b: {  	v5 =	vmin.f32 v14, v11;
	v11 =	vmax.f32 v14, v11;
	v14 =	vmax.f32 v15, v9  }
0x4c: {  	v18 =	vmax.f32 v16, v3;
	v20 =	vmin.f32 v5, v4;
	v5 =	vmax.f32 v5, v4  }
0x4d: {  	v16 =	vmin.f32 v16, v3;
	v21 =	vmin.f32 v20, v14;
	v14 =	vmax.f32 v20, v14  }
0x4e: {  	v0 =	vmin.f32 v0, v2;
	v2 =	vmin.f32 v16, v11;
	v4 =	vmin.f32 v15, v9  }
0x4f: {  	v15 =	vmin.f32 v0, v18;
	v18 =	vmin.f32 v2, v5;
	v20 =	vmax.f32 v4, v1  }
0x50: {  	v3 =	vmin.f32 v18, v14;
	v0 =	vmin.f32 v4, v1;
	v4 =	vmax.f32 v21, v20  }
0x51: {  	v11 =	vmax.f32 v16, v11;
	v16 =	vmax.f32 v2, v5;
	v14 =	vmax.f32 v18, v14  }
0x52: {  	v11 =	vmin.f32 v15, v11;
	v18 =	vmax.f32 v6, v10;
	v2 =	vmin.f32 v21, v20  }
0x53: {  	v6 =	vmin.f32 v6, v10;
	v10 =	vmax.f32 v18, v13;
	v5 =	vmax.f32 v3, v4  }
0x54: {  	v11 =	vmin.f32 v11, v16;
	v15 =	vmax.f32 v17, v6;
	v6 =	vmin.f32 v17, v6  }
0x55: {  	v16 =	vmax.f32 v12, v6;
	v12 =	vmin.f32 v12, v6;
	v6 =	vmin.f32 v18, v13  }
0x56: {  	v13 =	vmax.f32 v15, v6;
	v15 =	vmin.f32 v15, v6;
	v6 =	vmin.f32 v11, v14  }
0x57: {  	v8 =	vmax.f32 v8, v12;
	v11 =	vmax.f32 v10, v7;
	v10 =	vmin.f32 v10, v7  }
0x58: {  	v12 =	vmax.f32 v16, v15;
	v14 =	vmin.f32 v16, v15;
	v15 =	vmax.f32 v11, v19  }
.Ltmp0:
0x59: {  	v16 =	vmin.f32 v13, v10;
	v7 =	vmax.f32 v15, v9;
	v15 =	vmin.f32 v15, v9;
	(pc) =	sbr.rel @p0 .LBB2_2-.Ltmp0, $4  }
0x5a: {  	v11 =	vmin.f32 v11, v19;
	v9 =	vmax.f32 v13, v10;
	v10 =	vmax.f32 v12, v16  }
0x5b: {  	v8 =	vmax.f32 v8, v14;
	v13 =	vmax.f32 v9, v11;
	v11 =	vmin.f32 v9, v11  }
0x5c: {  	v12 =	vmin.f32 v12, v16;
	v9 =	vmax.f32 v10, v11;
	v11 =	vmin.f32 v10, v11  }
0x5d: {  	s18 =	sadd.s32 $0x80, s18;
	v12 =	vmax.f32 v8, v12;
	v8 =	vmax.f32 v13, v15;
	v10 =	vmin.f32 v13, v15  }
0x5e: {  	v13 =	vmax.f32 v7, v1;
	v11 =	vmax.f32 v12, v11;
	v1 =	vmin.f32 v7, v1  }
0x5f: {  	v7 =	vmax.f32 v9, v10;
	v9 =	vmin.f32 v9, v10;
	v10 =	vmin.f32 v8, v1  }
0x60: {  	v9 =	vmax.f32 v11, v9;
	v1 =	vmax.f32 v8, v1;
	(xrf1) =	vsort.dscd.msk.f32 $0xffff, v13, v13  }
0x61: {  	v8 =	vmax.f32 v7, v10;
	v7 =	vmin.f32 v7, v10;
	(xrf1) =	vsort.ascd.msk.f32 $0xffff, v1, v1  }
0x62: {  	v1 =	vmax.f32 v9, v7;
	(xrf1) =	vsort.dscd.msk.f32 $0xffff, v8, v8  }
0x63: {  	(xrf1) =	vsort.ascd.msk.f32 $0xffff, v1, v1;
	_ =	sdelay $0xa  }
0x64: {  	v1, _, _ =	vpop (xrf1)  }
0x65: {  	v7, _, _ =	vpop (xrf1)  }
0x66: {  	v8, _, _ =	vpop (xrf1)  }
0x67: {  	v1 =	vmax.f32 v1, v7;
	v7, _, _ =	vpop (xrf1)  }
0x68: {  	(xrf1) =	vsort.dscd.msk.f32 $0xffff, v1, v1;
	v7 =	vmax.f32 v8, v7  }
0x69: {  	(xrf1) =	vsort.ascd.msk.f32 $0xffff, v7, v7;
	_ =	sdelay $0xc  }
0x6a: {  	v1, _, _ =	vpop (xrf1)  }
0x6b: {  	v7, _, _ =	vpop (xrf1)  }
0x6c: {  	v1 =	vmax.f32 v1, v7  }
0x6d: {  	(xrf1) =	vsort.dscd.msk.f32 $0xffff, v1, v1  }
0x6e: {  	(xrf1) =	vsort.ascd.msk.f32 $0xffff, v0, v0  }
0x6f: {  	v0 =	vmin.f32 v3, v4;
	(xrf1) =	vsort.dscd.msk.f32 $0xffff, v2, v2  }
0x70: {  	v1 =	vmin.f32 v6, v5;
	(xrf1) =	vsort.ascd.msk.f32 $0xffff, v0, v0  }
0x71: {  	(xrf1) =	vsort.dscd.msk.f32 $0xffff, v1, v1;
	_ =	sdelay $0x9  }
0x72: {  	v0, _, _ =	vpop (xrf1)  }
0x73: {  	v1, _, _ =	vpop (xrf1)  }
0x74: {  	v2, _, _ =	vpop (xrf1)  }
0x75: {  	v3, _, _ =	vpop (xrf1)  }
0x76: {  	v1 =	vmin.f32 v1, v2;
	v2, _, _ =	vpop (xrf1)  }
0x77: {  	(xrf1) =	vsort.ascd.msk.f32 $0xffff, v1, v1;
	v2 =	vmin.f32 v3, v2  }
0x78: {  	(xrf1) =	vsort.dscd.msk.f32 $0xffff, v2, v2;
	_ =	sdelay $0xc  }
0x79: {  	v1, _, _ =	vpop (xrf1)  }
0x7a: {  	v2, _, _ =	vpop (xrf1)  }
0x7b: {  	v1 =	vmin.f32 v1, v2  }
0x7c: {  	(xrf1) =	vsort.ascd.msk.f32 $0xffff, v1, v1;
	_ =	sdelay $0xd  }
0x7d: {  	v1, _, _ =	vpop (xrf1)  }
0x7e: {  	v0 =	vadd.f32 v1, v0;
	_ =	sdelay $0x1  }
0x7f: {  	[tilespmem:$0x10000] =	vst v0  }
0x80: {  	[tilespmem:s2], [sflag:$0x1] =	stream.strided.gather [hbm4b:s5+s9], $0x8000, s10, s9, $0x38;
	[tilespmem:$0x10200] =	vst v63  }
0x81: {  	_ =	swait.ge [sflag:s13], $0x8000  }
0x82: {  	[sflag:s13] =	ssyncset.done $0x0  }
0x83: {  	s17 =	simm.s32 $0x8040;
	[sflag:s13] =	ssyncadd.s32 $0xFFFF8000  }
0x84: {  	v0 =	vld [tilespmem:s17+$0xFFFFFFC0];
	_ =	sdelay $0x1  }
0x85: {  	v1 =	vld [tilespmem:s17+$0xFFFFFFD0];
	_ =	sdelay $0x1  }
0x86: {  	v3 =	vimm.f32 $+Inf;
	v2 =	vimm.f32 $-Inf  }
0x87: {  	v4 =	vmax.f32 v2, v0;
	v5 =	vmin.f32 v2, v0;
	v6 =	vmin.f32 v3, v0  }
0x88: {  	v7 =	vld [tilespmem:s17+$0xFFFFFFE0];
	v0 =	vmax.f32 v3, v0;
	v8 =	vmax.f32 v2, v5;
	v5 =	vmin.f32 v2, v5  }
0x89: {  	v9 =	vmin.f32 v3, v0;
	v0 =	vmax.f32 v3, v0;
	v10 =	vmax.f32 v6, v1  }
0x8a: {  	v11 =	vld [tilespmem:s17+$0xFFFFFFF0];
	v12 =	vmin.f32 v4, v1;
	v6 =	vmin.f32 v6, v1;
	v16 =	vmax.f32 v4, v1  }
0x8b: {  	v13 =	vmax.f32 v9, v10;
	v14 =	vmin.f32 v3, v0;
	v15 =	vmax.f32 v8, v12  }
0x8c: {  	v8 =	vmin.f32 v8, v12;
	v12 =	vmax.f32 v2, v5;
	v1 =	vmin.f32 v9, v10  }
0x8d: {  	v9 =	vld [tilespmem:s17+$0x0];
	v10 =	vmin.f32 v6, v7;
	v6 =	vmax.f32 v6, v7;
	v0 =	vmax.f32 v3, v0  }
0x8e: {  	v5 =	vmin.f32 v2, v5;
	v63 =	vmax.f32 v16, v7;
	v7 =	vmin.f32 v16, v7  }
0x8f: {  	v17 =	vld [tilespmem:s17+$0x10];
	v4 =	vmin.f32 v12, v8;
	v8 =	vmax.f32 v12, v8;
	v12 =	vmin.f32 v10, v11  }
0x90: {  	v10 =	vmax.f32 v10, v11;
	v18 =	vmin.f32 v1, v6;
	v1 =	vmax.f32 v1, v6  }
0x91: {  	v0 =	vmin.f32 v3, v0;
	v3 =	vmin.f32 v14, v13;
	v2 =	vmax.f32 v2, v5  }
0x92: {  	v19 =	vld [tilespmem:s17+$0x20];
	v16 =	vmax.f32 v15, v7;
	v7 =	vmin.f32 v15, v7;
	v5 =	vmin.f32 v12, v9  }
0x93: {  	v6 =	vmax.f32 v12, v9;
	v12 =	vmax.f32 v2, v4;
	v2 =	vmin.f32 v18, v10  }
0x94: {  	v4 =	vmax.f32 v18, v10;
	v10 =	vmax.f32 v14, v13;
	v13 =	vmin.f32 v5, v17  }
0x95: {  	v5 =	vmax.f32 v5, v17;
	v0 =	vmin.f32 v0, v10;
	v10 =	vmin.f32 v3, v1  }
0x96: {  	v3 =	vmax.f32 v3, v1;
	v14 =	vmin.f32 v2, v6;
	v2 =	vmax.f32 v2, v6  }
0x97: {  	v6 =	vmax.f32 v13, v19;
	v18 =	vmax.f32 v10, v4;
	v20 =	vmin.f32 v14, v5  }
0x98: {  	v5 =	vmax.f32 v14, v5;
	v10 =	vmin.f32 v10, v4;
	v0 =	vmin.f32 v0, v3  }
0x99: {  	v1 =	vld [tilespmem:s17+$0x30];
	v4 =	vmin.f32 v13, v19;
	v14 =	vmin.f32 v20, v6;
	v6 =	vmax.f32 v20, v6  }
0x9a: {  	v61 =	vmin.f32 v10, v2;
	v13 =	vmin.f32 v0, v18;
	v2 =	vmax.f32 v10, v2  }
0x9b: {  	v62 =	vmin.f32 v61, v5;
	v10 =	vmax.f32 v61, v5;
	v13 =	vmin.f32 v13, v2  }
0x9c: {  	v3 =	vmin.f32 v62, v6;
	v6 =	vmax.f32 v62, v6;
	v10 =	vmin.f32 v13, v10  }
0x9d: {  	v13 =	vmax.f32 v8, v7;
	v7 =	vmin.f32 v8, v7;
	v8 =	vmin.f32 v63, v11  }
0x9e: {  	v21 =	vmax.f32 v4, v1;
	v0 =	vmin.f32 v4, v1;
	v6 =	vmin.f32 v10, v6  }
0x9f: {  	v10 =	vmax.f32 v12, v7;
	v4 =	vmax.f32 v14, v21;
	v2 =	vmin.f32 v14, v21  }
0xa0: {  	v14 =	vmax.f32 v63, v11;
	v11 =	vmax.f32 v16, v8;
	v8 =	vmin.f32 v16, v8  }
0xa1: {  	v5 =	vmax.f32 v3, v4;
	v12 =	vmax.f32 v14, v9;
	v9 =	vmin.f32 v14, v9  }
0xa2: {  	v14 =	vmax.f32 v13, v8;
	v8 =	vmin.f32 v13, v8;
	v13 =	vmax.f32 v12, v17  }
0xa3: {  	v15 =	vmin.f32 v11, v9;
	v9 =	vmax.f32 v11, v9;
	v12 =	vmin.f32 v12, v17  }
0xa4: {  	v8 =	vmax.f32 v10, v8;
	v7 =	vmax.f32 v13, v19;
	v13 =	vmin.f32 v13, v19  }
0xa5: {  	v11 =	vmax.f32 v14, v15;
	v10 =	vmax.f32 v9, v12;
	v12 =	vmin.f32 v9, v12  }
0xa6: {  	v14 =	vmin.f32 v14, v15;
	v9 =	vmax.f32 v11, v12;
	v11 =	vmin.f32 v11, v12  }
0xa7: {  	s18 =	simm.s32 $0x80C0;
	s17 =	simm.s32 $0x0;
	v12 =	vmax.f32 v8, v14;
	v8 =	vmax.f32 v10, v13;
	v10 =	vmin.f32 v10, v13  }
.LBB2_4:
0xa8: {  	v13 =	vld [tilespmem:s18+$0xFFFFFFC0];
	s17 =	sadd.s32 $0x8, s17;
	v14 =	vmax.f32 v7, v1;
	v3 =	vmin.f32 v3, v4  }
0xa9: {  	v4 =	vmax.f32 v12, v11;
	v1 =	vmin.f32 v7, v1;
	v5 =	vmin.f32 v6, v5;
	p0 =	slt.u32 s17, $0x7F8  }
0xaa: {  	v7 =	vmax.f32 v9, v10;
	v9 =	vmin.f32 v9, v10;
	v10 =	vmin.f32 v8, v1;
	v6 =	vld [tilespmem:s18+$0xFFFFFFD0]  }
0xab: {  	v4 =	vmax.f32 v4, v9;
	v9 =	vmax.f32 v7, v10;
	v7 =	vmin.f32 v7, v10  }
0xac: {  	v1 =	vmax.f32 v8, v1;
	v4 =	vmax.f32 v4, v7;
	v10 =	vld [tilespmem:s18+$0xFFFFFFE0]  }
0xad: {  	v7 =	vmax.f32 v14, v13;
	v8 =	vmin.f32 v14, v13;
	v11 =	vmin.f32 v0, v13  }
0xae: {  	v0 =	vmax.f32 v0, v13;
	v12 =	vmax.f32 v1, v8;
	v1 =	vmin.f32 v1, v8  }
0xaf: {  	v8 =	vmin.f32 v2, v0;
	v0 =	vmax.f32 v2, v0;
	v2 =	vmax.f32 v11, v6;
	v13 =	vld [tilespmem:s18+$0xFFFFFFF0]  }
0xb0: {  	v14 =	vmin.f32 v7, v6;
	v11 =	vmin.f32 v11, v6;
	v15 =	vmax.f32 v8, v2  }
0xb1: {  	v16 =	vmin.f32 v3, v0;
	v17 =	vmax.f32 v12, v14;
	v12 =	vmin.f32 v12, v14  }
0xb2: {  	v6 =	vmax.f32 v7, v6;
	v14 =	vmax.f32 v9, v1;
	v2 =	vmin.f32 v8, v2;
	v7 =	vld [tilespmem:s18+$0x0]  }
0xb3: {  	v8 =	vmin.f32 v14, v12;
	v18 =	vmin.f32 v11, v10;
	v11 =	vmax.f32 v11, v10  }
0xb4: {  	v12 =	vmax.f32 v14, v12;
	v14 =	vmin.f32 v18, v13;
	v18 =	vmax.f32 v18, v13;
	v19 =	vld [tilespmem:s18+$0x10]  }
0xb5: {  	v0 =	vmax.f32 v3, v0;
	v3 =	vmin.f32 v2, v11;
	v2 =	vmax.f32 v2, v11  }
0xb6: {  	v1 =	vmin.f32 v9, v1;
	v0 =	vmin.f32 v5, v0;
	v5 =	vmin.f32 v16, v15;
	v9 =	vld [tilespmem:s18+$0x20]  }
0xb7: {  	v1 =	vmax.f32 v4, v1;
	v4 =	vmin.f32 v14, v7;
	v11 =	vmax.f32 v14, v7  }
0xb8: {  	v8 =	vmax.f32 v1, v8;
	v14 =	vmin.f32 v3, v18;
	v3 =	vmax.f32 v3, v18  }
0xb9: {  	v1 =	vmax.f32 v16, v15;
	v15 =	vmin.f32 v4, v19;
	v4 =	vmax.f32 v4, v19  }
0xba: {  	v0 =	vmin.f32 v0, v1;
	v16 =	vmin.f32 v5, v2;
	v2 =	vmax.f32 v5, v2;
	v1 =	vld [tilespmem:s18+$0x30]  }
0xbb: {  	v5 =	vmin.f32 v14, v11;
	v11 =	vmax.f32 v14, v11;
	v14 =	vmax.f32 v15, v9  }
0xbc: {  	v18 =	vmax.f32 v16, v3;
	v20 =	vmin.f32 v5, v4;
	v5 =	vmax.f32 v5, v4  }
0xbd: {  	v16 =	vmin.f32 v16, v3;
	v21 =	vmin.f32 v20, v14;
	v14 =	vmax.f32 v20, v14  }
0xbe: {  	v0 =	vmin.f32 v0, v2;
	v2 =	vmin.f32 v16, v11;
	v4 =	vmin.f32 v15, v9  }
0xbf: {  	v15 =	vmin.f32 v0, v18;
	v18 =	vmin.f32 v2, v5;
	v20 =	vmax.f32 v4, v1  }
0xc0: {  	v3 =	vmin.f32 v18, v14;
	v0 =	vmin.f32 v4, v1;
	v4 =	vmax.f32 v21, v20  }
0xc1: {  	v11 =	vmax.f32 v16, v11;
	v16 =	vmax.f32 v2, v5;
	v14 =	vmax.f32 v18, v14  }
0xc2: {  	v11 =	vmin.f32 v15, v11;
	v18 =	vmax.f32 v6, v10;
	v2 =	vmin.f32 v21, v20  }
0xc3: {  	v6 =	vmin.f32 v6, v10;
	v10 =	vmax.f32 v18, v13;
	v5 =	vmax.f32 v3, v4  }
0xc4: {  	v11 =	vmin.f32 v11, v16;
	v15 =	vmax.f32 v17, v6;
	v6 =	vmin.f32 v17, v6  }
0xc5: {  	v16 =	vmax.f32 v12, v6;
	v12 =	vmin.f32 v12, v6;
	v6 =	vmin.f32 v18, v13  }
0xc6: {  	v13 =	vmax.f32 v15, v6;
	v15 =	vmin.f32 v15, v6;
	v6 =	vmin.f32 v11, v14  }
0xc7: {  	v8 =	vmax.f32 v8, v12;
	v11 =	vmax.f32 v10, v7;
	v10 =	vmin.f32 v10, v7  }
0xc8: {  	v12 =	vmax.f32 v16, v15;
	v14 =	vmin.f32 v16, v15;
	v15 =	vmax.f32 v11, v19  }
.Ltmp1:
0xc9: {  	v16 =	vmin.f32 v13, v10;
	v7 =	vmax.f32 v15, v9;
	v15 =	vmin.f32 v15, v9;
	(pc) =	sbr.rel @p0 .LBB2_4-.Ltmp1, $4  }
0xca: {  	v11 =	vmin.f32 v11, v19;
	v9 =	vmax.f32 v13, v10;
	v10 =	vmax.f32 v12, v16  }
0xcb: {  	v8 =	vmax.f32 v8, v14;
	v13 =	vmax.f32 v9, v11;
	v11 =	vmin.f32 v9, v11  }
0xcc: {  	v12 =	vmin.f32 v12, v16;
	v9 =	vmax.f32 v10, v11;
	v11 =	vmin.f32 v10, v11  }
0xcd: {  	s18 =	sadd.s32 $0x80, s18;
	v12 =	vmax.f32 v8, v12;
	v8 =	vmax.f32 v13, v15;
	v10 =	vmin.f32 v13, v15  }
0xce: {  	v13 =	vmax.f32 v7, v1;
	v11 =	vmax.f32 v12, v11;
	v1 =	vmin.f32 v7, v1  }
0xcf: {  	v7 =	vmax.f32 v9, v10;
	v9 =	vmin.f32 v9, v10;
	v10 =	vmin.f32 v8, v1  }
0xd0: {  	v9 =	vmax.f32 v11, v9;
	v1 =	vmax.f32 v8, v1;
	(xrf1) =	vsort.dscd.msk.f32 $0xffff, v13, v13  }
0xd1: {  	v8 =	vmax.f32 v7, v10;
	v7 =	vmin.f32 v7, v10;
	(xrf1) =	vsort.ascd.msk.f32 $0xffff, v1, v1  }
0xd2: {  	v1 =	vmax.f32 v9, v7;
	(xrf1) =	vsort.dscd.msk.f32 $0xffff, v8, v8  }
0xd3: {  	(xrf1) =	vsort.ascd.msk.f32 $0xffff, v1, v1;
	_ =	sdelay $0xa  }
0xd4: {  	v1, _, _ =	vpop (xrf1)  }
0xd5: {  	v7, _, _ =	vpop (xrf1)  }
0xd6: {  	v8, _, _ =	vpop (xrf1)  }
0xd7: {  	v1 =	vmax.f32 v1, v7;
	v7, _, _ =	vpop (xrf1)  }
0xd8: {  	(xrf1) =	vsort.dscd.msk.f32 $0xffff, v1, v1;
	v7 =	vmax.f32 v8, v7  }
0xd9: {  	(xrf1) =	vsort.ascd.msk.f32 $0xffff, v7, v7;
	_ =	sdelay $0xc  }
0xda: {  	v1, _, _ =	vpop (xrf1)  }
0xdb: {  	v7, _, _ =	vpop (xrf1)  }
0xdc: {  	v1 =	vmax.f32 v1, v7  }
0xdd: {  	(xrf1) =	vsort.dscd.msk.f32 $0xffff, v1, v1  }
0xde: {  	(xrf1) =	vsort.ascd.msk.f32 $0xffff, v0, v0  }
0xdf: {  	v0 =	vmin.f32 v3, v4;
	(xrf1) =	vsort.dscd.msk.f32 $0xffff, v2, v2  }
0xe0: {  	v1 =	vmin.f32 v6, v5;
	(xrf1) =	vsort.ascd.msk.f32 $0xffff, v0, v0  }
0xe1: {  	(xrf1) =	vsort.dscd.msk.f32 $0xffff, v1, v1;
	_ =	sdelay $0x9  }
0xe2: {  	v0, _, _ =	vpop (xrf1)  }
0xe3: {  	v1, _, _ =	vpop (xrf1)  }
0xe4: {  	v2, _, _ =	vpop (xrf1)  }
0xe5: {  	v3, _, _ =	vpop (xrf1)  }
0xe6: {  	v1 =	vmin.f32 v1, v2;
	v2, _, _ =	vpop (xrf1)  }
0xe7: {  	(xrf1) =	vsort.ascd.msk.f32 $0xffff, v1, v1;
	v2 =	vmin.f32 v3, v2  }
0xe8: {  	(xrf1) =	vsort.dscd.msk.f32 $0xffff, v2, v2;
	_ =	sdelay $0xc  }
0xe9: {  	v1, _, _ =	vpop (xrf1)  }
0xea: {  	v2, _, _ =	vpop (xrf1)  }
0xeb: {  	v1 =	vmin.f32 v1, v2  }
0xec: {  	(xrf1) =	vsort.ascd.msk.f32 $0xffff, v1, v1;
	_ =	sdelay $0xd  }
0xed: {  	v1, _, _ =	vpop (xrf1)  }
0xee: {  	v0 =	vadd.f32 v1, v0;
	_ =	sdelay $0x1  }
0xef: {  	[tilespmem:$0x10080] =	vst v0  }
0xf0: {  	[tilespmem:s11], [sflag:$0x2] =	stream.strided.gather [hbm4b:s6+s9], $0x8000, s10, s9, $0x38;
	[tilespmem:$0x10200] =	vst v63  }
0xf1: {  	_ =	swait.ge [sflag:s12], $0x8000  }
0xf2: {  	[sflag:s12] =	ssyncset.done $0x0  }
0xf3: {  	s17 =	simm.s32 $0x40;
	[sflag:s12] =	ssyncadd.s32 $0xFFFF8000  }
0xf4: {  	v0 =	vld [tilespmem:s17+$0xFFFFFFC0];
	_ =	sdelay $0x1  }
0xf5: {  	v1 =	vld [tilespmem:s17+$0xFFFFFFD0];
	_ =	sdelay $0x1  }
0xf6: {  	v3 =	vimm.f32 $+Inf;
	v2 =	vimm.f32 $-Inf  }
0xf7: {  	v4 =	vmax.f32 v2, v0;
	v5 =	vmin.f32 v2, v0;
	v6 =	vmin.f32 v3, v0  }
0xf8: {  	v7 =	vld [tilespmem:s17+$0xFFFFFFE0];
	v0 =	vmax.f32 v3, v0;
	v8 =	vmax.f32 v2, v5;
	v5 =	vmin.f32 v2, v5  }
0xf9: {  	v9 =	vmin.f32 v3, v0;
	v0 =	vmax.f32 v3, v0;
	v10 =	vmax.f32 v6, v1  }
0xfa: {  	v11 =	vld [tilespmem:s17+$0xFFFFFFF0];
	v12 =	vmin.f32 v4, v1;
	v6 =	vmin.f32 v6, v1;
	v16 =	vmax.f32 v4, v1  }
0xfb: {  	v13 =	vmax.f32 v9, v10;
	v14 =	vmin.f32 v3, v0;
	v15 =	vmax.f32 v8, v12  }
0xfc: {  	v8 =	vmin.f32 v8, v12;
	v12 =	vmax.f32 v2, v5;
	v1 =	vmin.f32 v9, v10  }
0xfd: {  	v9 =	vld [tilespmem:s17+$0x0];
	v10 =	vmin.f32 v6, v7;
	v6 =	vmax.f32 v6, v7;
	v0 =	vmax.f32 v3, v0  }
0xfe: {  	v5 =	vmin.f32 v2, v5;
	v63 =	vmax.f32 v16, v7;
	v7 =	vmin.f32 v16, v7  }
0xff: {  	v17 =	vld [tilespmem:s17+$0x10];
	v4 =	vmin.f32 v12, v8;
	v8 =	vmax.f32 v12, v8;
	v12 =	vmin.f32 v10, v11  }
0x100: {  	v10 =	vmax.f32 v10, v11;
	v18 =	vmin.f32 v1, v6;
	v1 =	vmax.f32 v1, v6  }
0x101: {  	v0 =	vmin.f32 v3, v0;
	v3 =	vmin.f32 v14, v13;
	v2 =	vmax.f32 v2, v5  }
0x102: {  	v19 =	vld [tilespmem:s17+$0x20];
	v16 =	vmax.f32 v15, v7;
	v7 =	vmin.f32 v15, v7;
	v5 =	vmin.f32 v12, v9  }
0x103: {  	v6 =	vmax.f32 v12, v9;
	v12 =	vmax.f32 v2, v4;
	v2 =	vmin.f32 v18, v10  }
0x104: {  	v4 =	vmax.f32 v18, v10;
	v10 =	vmax.f32 v14, v13;
	v13 =	vmin.f32 v5, v17  }
0x105: {  	v5 =	vmax.f32 v5, v17;
	v0 =	vmin.f32 v0, v10;
	v10 =	vmin.f32 v3, v1  }
0x106: {  	v3 =	vmax.f32 v3, v1;
	v14 =	vmin.f32 v2, v6;
	v2 =	vmax.f32 v2, v6  }
0x107: {  	v6 =	vmax.f32 v13, v19;
	v18 =	vmax.f32 v10, v4;
	v20 =	vmin.f32 v14, v5  }
0x108: {  	v5 =	vmax.f32 v14, v5;
	v10 =	vmin.f32 v10, v4;
	v0 =	vmin.f32 v0, v3  }
0x109: {  	v1 =	vld [tilespmem:s17+$0x30];
	v4 =	vmin.f32 v13, v19;
	v14 =	vmin.f32 v20, v6;
	v6 =	vmax.f32 v20, v6  }
0x10a: {  	v61 =	vmin.f32 v10, v2;
	v13 =	vmin.f32 v0, v18;
	v2 =	vmax.f32 v10, v2  }
0x10b: {  	v62 =	vmin.f32 v61, v5;
	v10 =	vmax.f32 v61, v5;
	v13 =	vmin.f32 v13, v2  }
0x10c: {  	v3 =	vmin.f32 v62, v6;
	v6 =	vmax.f32 v62, v6;
	v10 =	vmin.f32 v13, v10  }
0x10d: {  	v13 =	vmax.f32 v8, v7;
	v7 =	vmin.f32 v8, v7;
	v8 =	vmin.f32 v63, v11  }
0x10e: {  	v21 =	vmax.f32 v4, v1;
	v0 =	vmin.f32 v4, v1;
	v6 =	vmin.f32 v10, v6  }
0x10f: {  	v10 =	vmax.f32 v12, v7;
	v4 =	vmax.f32 v14, v21;
	v2 =	vmin.f32 v14, v21  }
0x110: {  	v14 =	vmax.f32 v63, v11;
	v11 =	vmax.f32 v16, v8;
	v8 =	vmin.f32 v16, v8  }
0x111: {  	v5 =	vmax.f32 v3, v4;
	v12 =	vmax.f32 v14, v9;
	v9 =	vmin.f32 v14, v9  }
0x112: {  	v14 =	vmax.f32 v13, v8;
	v8 =	vmin.f32 v13, v8;
	v13 =	vmax.f32 v12, v17  }
0x113: {  	v15 =	vmin.f32 v11, v9;
	v9 =	vmax.f32 v11, v9;
	v12 =	vmin.f32 v12, v17  }
0x114: {  	v8 =	vmax.f32 v10, v8;
	v7 =	vmax.f32 v13, v19;
	v13 =	vmin.f32 v13, v19  }
0x115: {  	v11 =	vmax.f32 v14, v15;
	v10 =	vmax.f32 v9, v12;
	v12 =	vmin.f32 v9, v12  }
0x116: {  	v14 =	vmin.f32 v14, v15;
	v9 =	vmax.f32 v11, v12;
	v11 =	vmin.f32 v11, v12  }
0x117: {  	s18 =	simm.s32 $0xC0;
	s17 =	simm.s32 $0x0;
	v12 =	vmax.f32 v8, v14;
	v8 =	vmax.f32 v10, v13;
	v10 =	vmin.f32 v10, v13  }
.LBB2_6:
0x118: {  	v13 =	vld [tilespmem:s18+$0xFFFFFFC0];
	s17 =	sadd.s32 $0x8, s17;
	v14 =	vmax.f32 v7, v1;
	v3 =	vmin.f32 v3, v4  }
0x119: {  	v4 =	vmax.f32 v12, v11;
	v1 =	vmin.f32 v7, v1;
	v5 =	vmin.f32 v6, v5;
	p0 =	slt.u32 s17, $0x7F8  }
0x11a: {  	v7 =	vmax.f32 v9, v10;
	v9 =	vmin.f32 v9, v10;
	v10 =	vmin.f32 v8, v1;
	v6 =	vld [tilespmem:s18+$0xFFFFFFD0]  }
0x11b: {  	v4 =	vmax.f32 v4, v9;
	v9 =	vmax.f32 v7, v10;
	v7 =	vmin.f32 v7, v10  }
0x11c: {  	v1 =	vmax.f32 v8, v1;
	v4 =	vmax.f32 v4, v7;
	v10 =	vld [tilespmem:s18+$0xFFFFFFE0]  }
0x11d: {  	v7 =	vmax.f32 v14, v13;
	v8 =	vmin.f32 v14, v13;
	v11 =	vmin.f32 v0, v13  }
0x11e: {  	v0 =	vmax.f32 v0, v13;
	v12 =	vmax.f32 v1, v8;
	v1 =	vmin.f32 v1, v8  }
0x11f: {  	v8 =	vmin.f32 v2, v0;
	v0 =	vmax.f32 v2, v0;
	v2 =	vmax.f32 v11, v6;
	v13 =	vld [tilespmem:s18+$0xFFFFFFF0]  }
0x120: {  	v14 =	vmin.f32 v7, v6;
	v11 =	vmin.f32 v11, v6;
	v15 =	vmax.f32 v8, v2  }
0x121: {  	v16 =	vmin.f32 v3, v0;
	v17 =	vmax.f32 v12, v14;
	v12 =	vmin.f32 v12, v14  }
0x122: {  	v6 =	vmax.f32 v7, v6;
	v14 =	vmax.f32 v9, v1;
	v2 =	vmin.f32 v8, v2;
	v7 =	vld [tilespmem:s18+$0x0]  }
0x123: {  	v8 =	vmin.f32 v14, v12;
	v18 =	vmin.f32 v11, v10;
	v11 =	vmax.f32 v11, v10  }
0x124: {  	v12 =	vmax.f32 v14, v12;
	v14 =	vmin.f32 v18, v13;
	v18 =	vmax.f32 v18, v13;
	v19 =	vld [tilespmem:s18+$0x10]  }
0x125: {  	v0 =	vmax.f32 v3, v0;
	v3 =	vmin.f32 v2, v11;
	v2 =	vmax.f32 v2, v11  }
0x126: {  	v1 =	vmin.f32 v9, v1;
	v0 =	vmin.f32 v5, v0;
	v5 =	vmin.f32 v16, v15;
	v9 =	vld [tilespmem:s18+$0x20]  }
0x127: {  	v1 =	vmax.f32 v4, v1;
	v4 =	vmin.f32 v14, v7;
	v11 =	vmax.f32 v14, v7  }
0x128: {  	v8 =	vmax.f32 v1, v8;
	v14 =	vmin.f32 v3, v18;
	v3 =	vmax.f32 v3, v18  }
0x129: {  	v1 =	vmax.f32 v16, v15;
	v15 =	vmin.f32 v4, v19;
	v4 =	vmax.f32 v4, v19  }
0x12a: {  	v0 =	vmin.f32 v0, v1;
	v16 =	vmin.f32 v5, v2;
	v2 =	vmax.f32 v5, v2;
	v1 =	vld [tilespmem:s18+$0x30]  }
0x12b: {  	v5 =	vmin.f32 v14, v11;
	v11 =	vmax.f32 v14, v11;
	v14 =	vmax.f32 v15, v9  }
0x12c: {  	v18 =	vmax.f32 v16, v3;
	v20 =	vmin.f32 v5, v4;
	v5 =	vmax.f32 v5, v4  }
0x12d: {  	v16 =	vmin.f32 v16, v3;
	v21 =	vmin.f32 v20, v14;
	v14 =	vmax.f32 v20, v14  }
0x12e: {  	v0 =	vmin.f32 v0, v2;
	v2 =	vmin.f32 v16, v11;
	v4 =	vmin.f32 v15, v9  }
0x12f: {  	v15 =	vmin.f32 v0, v18;
	v18 =	vmin.f32 v2, v5;
	v20 =	vmax.f32 v4, v1  }
0x130: {  	v3 =	vmin.f32 v18, v14;
	v0 =	vmin.f32 v4, v1;
	v4 =	vmax.f32 v21, v20  }
0x131: {  	v11 =	vmax.f32 v16, v11;
	v16 =	vmax.f32 v2, v5;
	v14 =	vmax.f32 v18, v14  }
0x132: {  	v11 =	vmin.f32 v15, v11;
	v18 =	vmax.f32 v6, v10;
	v2 =	vmin.f32 v21, v20  }
0x133: {  	v6 =	vmin.f32 v6, v10;
	v10 =	vmax.f32 v18, v13;
	v5 =	vmax.f32 v3, v4  }
0x134: {  	v11 =	vmin.f32 v11, v16;
	v15 =	vmax.f32 v17, v6;
	v6 =	vmin.f32 v17, v6  }
0x135: {  	v16 =	vmax.f32 v12, v6;
	v12 =	vmin.f32 v12, v6;
	v6 =	vmin.f32 v18, v13  }
0x136: {  	v13 =	vmax.f32 v15, v6;
	v15 =	vmin.f32 v15, v6;
	v6 =	vmin.f32 v11, v14  }
0x137: {  	v8 =	vmax.f32 v8, v12;
	v11 =	vmax.f32 v10, v7;
	v10 =	vmin.f32 v10, v7  }
0x138: {  	v12 =	vmax.f32 v16, v15;
	v14 =	vmin.f32 v16, v15;
	v15 =	vmax.f32 v11, v19  }
.Ltmp2:
0x139: {  	v16 =	vmin.f32 v13, v10;
	v7 =	vmax.f32 v15, v9;
	v15 =	vmin.f32 v15, v9;
	(pc) =	sbr.rel @p0 .LBB2_6-.Ltmp2, $4  }
0x13a: {  	v11 =	vmin.f32 v11, v19;
	v9 =	vmax.f32 v13, v10;
	v10 =	vmax.f32 v12, v16  }
0x13b: {  	v8 =	vmax.f32 v8, v14;
	v13 =	vmax.f32 v9, v11;
	v11 =	vmin.f32 v9, v11  }
0x13c: {  	v12 =	vmin.f32 v12, v16;
	v9 =	vmax.f32 v10, v11;
	v11 =	vmin.f32 v10, v11  }
0x13d: {  	s18 =	sadd.s32 $0x80, s18;
	v12 =	vmax.f32 v8, v12;
	v8 =	vmax.f32 v13, v15;
	v10 =	vmin.f32 v13, v15  }
0x13e: {  	v13 =	vmax.f32 v7, v1;
	v11 =	vmax.f32 v12, v11;
	v1 =	vmin.f32 v7, v1  }
0x13f: {  	v7 =	vmax.f32 v9, v10;
	v9 =	vmin.f32 v9, v10;
	v10 =	vmin.f32 v8, v1  }
0x140: {  	v9 =	vmax.f32 v11, v9;
	v1 =	vmax.f32 v8, v1;
	(xrf1) =	vsort.dscd.msk.f32 $0xffff, v13, v13  }
0x141: {  	v8 =	vmax.f32 v7, v10;
	v7 =	vmin.f32 v7, v10;
	(xrf1) =	vsort.ascd.msk.f32 $0xffff, v1, v1  }
0x142: {  	v1 =	vmax.f32 v9, v7;
	(xrf1) =	vsort.dscd.msk.f32 $0xffff, v8, v8  }
0x143: {  	(xrf1) =	vsort.ascd.msk.f32 $0xffff, v1, v1;
	_ =	sdelay $0xa  }
0x144: {  	v1, _, _ =	vpop (xrf1)  }
0x145: {  	v7, _, _ =	vpop (xrf1)  }
0x146: {  	v8, _, _ =	vpop (xrf1)  }
0x147: {  	v1 =	vmax.f32 v1, v7;
	v7, _, _ =	vpop (xrf1)  }
0x148: {  	(xrf1) =	vsort.dscd.msk.f32 $0xffff, v1, v1;
	v7 =	vmax.f32 v8, v7  }
0x149: {  	(xrf1) =	vsort.ascd.msk.f32 $0xffff, v7, v7;
	_ =	sdelay $0xc  }
0x14a: {  	v1, _, _ =	vpop (xrf1)  }
0x14b: {  	v7, _, _ =	vpop (xrf1)  }
0x14c: {  	v1 =	vmax.f32 v1, v7  }
0x14d: {  	(xrf1) =	vsort.dscd.msk.f32 $0xffff, v1, v1  }
0x14e: {  	(xrf1) =	vsort.ascd.msk.f32 $0xffff, v0, v0  }
0x14f: {  	v0 =	vmin.f32 v3, v4;
	(xrf1) =	vsort.dscd.msk.f32 $0xffff, v2, v2  }
0x150: {  	v1 =	vmin.f32 v6, v5;
	(xrf1) =	vsort.ascd.msk.f32 $0xffff, v0, v0  }
0x151: {  	(xrf1) =	vsort.dscd.msk.f32 $0xffff, v1, v1;
	_ =	sdelay $0x9  }
0x152: {  	v0, _, _ =	vpop (xrf1)  }
0x153: {  	v1, _, _ =	vpop (xrf1)  }
0x154: {  	v2, _, _ =	vpop (xrf1)  }
0x155: {  	v3, _, _ =	vpop (xrf1)  }
0x156: {  	v1 =	vmin.f32 v1, v2;
	v2, _, _ =	vpop (xrf1)  }
0x157: {  	(xrf1) =	vsort.ascd.msk.f32 $0xffff, v1, v1;
	v2 =	vmin.f32 v3, v2  }
0x158: {  	(xrf1) =	vsort.dscd.msk.f32 $0xffff, v2, v2;
	_ =	sdelay $0xc  }
0x159: {  	v1, _, _ =	vpop (xrf1)  }
0x15a: {  	v2, _, _ =	vpop (xrf1)  }
0x15b: {  	v1 =	vmin.f32 v1, v2  }
0x15c: {  	(xrf1) =	vsort.ascd.msk.f32 $0xffff, v1, v1;
	_ =	sdelay $0xd  }
0x15d: {  	v1, _, _ =	vpop (xrf1)  }
0x15e: {  	v0 =	vadd.f32 v1, v0;
	_ =	sdelay $0x1  }
0x15f: {  	[tilespmem:$0x10100] =	vst v0  }
0x160: {  	_ =	swait.ge [sflag:s13], $0x8000  }
0x161: {  	[sflag:s13] =	ssyncset.done $0x0  }
0x162: {  	s17 =	simm.s32 $0x8040;
	[sflag:s13] =	ssyncadd.s32 $0xFFFF8000  }
0x163: {  	v0 =	vld [tilespmem:s17+$0xFFFFFFC0];
	_ =	sdelay $0x1  }
0x164: {  	v1 =	vld [tilespmem:s17+$0xFFFFFFD0];
	_ =	sdelay $0x1  }
0x165: {  	v3 =	vimm.f32 $+Inf;
	v2 =	vimm.f32 $-Inf  }
0x166: {  	v4 =	vmax.f32 v2, v0;
	v5 =	vmin.f32 v2, v0;
	v6 =	vmin.f32 v3, v0  }
0x167: {  	v7 =	vld [tilespmem:s17+$0xFFFFFFE0];
	v0 =	vmax.f32 v3, v0;
	v8 =	vmax.f32 v2, v5;
	v5 =	vmin.f32 v2, v5  }
0x168: {  	v9 =	vmin.f32 v3, v0;
	v0 =	vmax.f32 v3, v0;
	v10 =	vmax.f32 v6, v1  }
0x169: {  	v11 =	vld [tilespmem:s17+$0xFFFFFFF0];
	v12 =	vmin.f32 v4, v1;
	v6 =	vmin.f32 v6, v1;
	v16 =	vmax.f32 v4, v1  }
0x16a: {  	v13 =	vmax.f32 v9, v10;
	v14 =	vmin.f32 v3, v0;
	v15 =	vmax.f32 v8, v12  }
0x16b: {  	v8 =	vmin.f32 v8, v12;
	v12 =	vmax.f32 v2, v5;
	v1 =	vmin.f32 v9, v10  }
0x16c: {  	v9 =	vld [tilespmem:s17+$0x0];
	v10 =	vmin.f32 v6, v7;
	v6 =	vmax.f32 v6, v7;
	v0 =	vmax.f32 v3, v0  }
0x16d: {  	v5 =	vmin.f32 v2, v5;
	v63 =	vmax.f32 v16, v7;
	v7 =	vmin.f32 v16, v7  }
0x16e: {  	v17 =	vld [tilespmem:s17+$0x10];
	v4 =	vmin.f32 v12, v8;
	v8 =	vmax.f32 v12, v8;
	v12 =	vmin.f32 v10, v11  }
0x16f: {  	v10 =	vmax.f32 v10, v11;
	v18 =	vmin.f32 v1, v6;
	v1 =	vmax.f32 v1, v6  }
0x170: {  	v0 =	vmin.f32 v3, v0;
	v3 =	vmin.f32 v14, v13;
	v2 =	vmax.f32 v2, v5  }
0x171: {  	v19 =	vld [tilespmem:s17+$0x20];
	v16 =	vmax.f32 v15, v7;
	v7 =	vmin.f32 v15, v7;
	v5 =	vmin.f32 v12, v9  }
0x172: {  	v6 =	vmax.f32 v12, v9;
	v12 =	vmax.f32 v2, v4;
	v2 =	vmin.f32 v18, v10  }
0x173: {  	v4 =	vmax.f32 v18, v10;
	v10 =	vmax.f32 v14, v13;
	v13 =	vmin.f32 v5, v17  }
0x174: {  	v5 =	vmax.f32 v5, v17;
	v0 =	vmin.f32 v0, v10;
	v10 =	vmin.f32 v3, v1  }
0x175: {  	v3 =	vmax.f32 v3, v1;
	v14 =	vmin.f32 v2, v6;
	v2 =	vmax.f32 v2, v6  }
0x176: {  	v6 =	vmax.f32 v13, v19;
	v18 =	vmax.f32 v10, v4;
	v20 =	vmin.f32 v14, v5  }
0x177: {  	v5 =	vmax.f32 v14, v5;
	v10 =	vmin.f32 v10, v4;
	v0 =	vmin.f32 v0, v3  }
0x178: {  	v1 =	vld [tilespmem:s17+$0x30];
	v4 =	vmin.f32 v13, v19;
	v14 =	vmin.f32 v20, v6;
	v6 =	vmax.f32 v20, v6  }
0x179: {  	v61 =	vmin.f32 v10, v2;
	v13 =	vmin.f32 v0, v18;
	v2 =	vmax.f32 v10, v2  }
0x17a: {  	v62 =	vmin.f32 v61, v5;
	v10 =	vmax.f32 v61, v5;
	v13 =	vmin.f32 v13, v2  }
0x17b: {  	v3 =	vmin.f32 v62, v6;
	v6 =	vmax.f32 v62, v6;
	v10 =	vmin.f32 v13, v10  }
0x17c: {  	v13 =	vmax.f32 v8, v7;
	v7 =	vmin.f32 v8, v7;
	v8 =	vmin.f32 v63, v11  }
0x17d: {  	v21 =	vmax.f32 v4, v1;
	v0 =	vmin.f32 v4, v1;
	v6 =	vmin.f32 v10, v6  }
0x17e: {  	v10 =	vmax.f32 v12, v7;
	v4 =	vmax.f32 v14, v21;
	v2 =	vmin.f32 v14, v21  }
0x17f: {  	v14 =	vmax.f32 v63, v11;
	v11 =	vmax.f32 v16, v8;
	v8 =	vmin.f32 v16, v8  }
0x180: {  	v5 =	vmax.f32 v3, v4;
	v12 =	vmax.f32 v14, v9;
	v9 =	vmin.f32 v14, v9  }
0x181: {  	v14 =	vmax.f32 v13, v8;
	v8 =	vmin.f32 v13, v8;
	v13 =	vmax.f32 v12, v17  }
0x182: {  	v15 =	vmin.f32 v11, v9;
	v9 =	vmax.f32 v11, v9;
	v12 =	vmin.f32 v12, v17  }
0x183: {  	v8 =	vmax.f32 v10, v8;
	v7 =	vmax.f32 v13, v19;
	v13 =	vmin.f32 v13, v19  }
0x184: {  	v11 =	vmax.f32 v14, v15;
	v10 =	vmax.f32 v9, v12;
	v12 =	vmin.f32 v9, v12  }
0x185: {  	v14 =	vmin.f32 v14, v15;
	v9 =	vmax.f32 v11, v12;
	v11 =	vmin.f32 v11, v12  }
0x186: {  	s18 =	simm.s32 $0x80C0;
	s17 =	simm.s32 $0x0;
	v12 =	vmax.f32 v8, v14;
	v8 =	vmax.f32 v10, v13;
	v10 =	vmin.f32 v10, v13  }
.LBB2_8:
0x187: {  	v13 =	vld [tilespmem:s18+$0xFFFFFFC0];
	s17 =	sadd.s32 $0x8, s17;
	v14 =	vmax.f32 v7, v1;
	v3 =	vmin.f32 v3, v4  }
0x188: {  	v4 =	vmax.f32 v12, v11;
	v1 =	vmin.f32 v7, v1;
	v5 =	vmin.f32 v6, v5;
	p0 =	slt.u32 s17, $0x7F8  }
0x189: {  	v7 =	vmax.f32 v9, v10;
	v9 =	vmin.f32 v9, v10;
	v10 =	vmin.f32 v8, v1;
	v6 =	vld [tilespmem:s18+$0xFFFFFFD0]  }
0x18a: {  	v4 =	vmax.f32 v4, v9;
	v9 =	vmax.f32 v7, v10;
	v7 =	vmin.f32 v7, v10  }
0x18b: {  	v1 =	vmax.f32 v8, v1;
	v4 =	vmax.f32 v4, v7;
	v10 =	vld [tilespmem:s18+$0xFFFFFFE0]  }
0x18c: {  	v7 =	vmax.f32 v14, v13;
	v8 =	vmin.f32 v14, v13;
	v11 =	vmin.f32 v0, v13  }
0x18d: {  	v0 =	vmax.f32 v0, v13;
	v12 =	vmax.f32 v1, v8;
	v1 =	vmin.f32 v1, v8  }
0x18e: {  	v8 =	vmin.f32 v2, v0;
	v0 =	vmax.f32 v2, v0;
	v2 =	vmax.f32 v11, v6;
	v13 =	vld [tilespmem:s18+$0xFFFFFFF0]  }
0x18f: {  	v14 =	vmin.f32 v7, v6;
	v11 =	vmin.f32 v11, v6;
	v15 =	vmax.f32 v8, v2  }
0x190: {  	v16 =	vmin.f32 v3, v0;
	v17 =	vmax.f32 v12, v14;
	v12 =	vmin.f32 v12, v14  }
0x191: {  	v6 =	vmax.f32 v7, v6;
	v14 =	vmax.f32 v9, v1;
	v2 =	vmin.f32 v8, v2;
	v7 =	vld [tilespmem:s18+$0x0]  }
0x192: {  	v8 =	vmin.f32 v14, v12;
	v18 =	vmin.f32 v11, v10;
	v11 =	vmax.f32 v11, v10  }
0x193: {  	v12 =	vmax.f32 v14, v12;
	v14 =	vmin.f32 v18, v13;
	v18 =	vmax.f32 v18, v13;
	v19 =	vld [tilespmem:s18+$0x10]  }
0x194: {  	v0 =	vmax.f32 v3, v0;
	v3 =	vmin.f32 v2, v11;
	v2 =	vmax.f32 v2, v11  }
0x195: {  	v1 =	vmin.f32 v9, v1;
	v0 =	vmin.f32 v5, v0;
	v5 =	vmin.f32 v16, v15;
	v9 =	vld [tilespmem:s18+$0x20]  }
0x196: {  	v1 =	vmax.f32 v4, v1;
	v4 =	vmin.f32 v14, v7;
	v11 =	vmax.f32 v14, v7  }
0x197: {  	v8 =	vmax.f32 v1, v8;
	v14 =	vmin.f32 v3, v18;
	v3 =	vmax.f32 v3, v18  }
0x198: {  	v1 =	vmax.f32 v16, v15;
	v15 =	vmin.f32 v4, v19;
	v4 =	vmax.f32 v4, v19  }
0x199: {  	v0 =	vmin.f32 v0, v1;
	v16 =	vmin.f32 v5, v2;
	v2 =	vmax.f32 v5, v2;
	v1 =	vld [tilespmem:s18+$0x30]  }
0x19a: {  	v5 =	vmin.f32 v14, v11;
	v11 =	vmax.f32 v14, v11;
	v14 =	vmax.f32 v15, v9  }
0x19b: {  	v18 =	vmax.f32 v16, v3;
	v20 =	vmin.f32 v5, v4;
	v5 =	vmax.f32 v5, v4  }
0x19c: {  	v16 =	vmin.f32 v16, v3;
	v21 =	vmin.f32 v20, v14;
	v14 =	vmax.f32 v20, v14  }
0x19d: {  	v0 =	vmin.f32 v0, v2;
	v2 =	vmin.f32 v16, v11;
	v4 =	vmin.f32 v15, v9  }
0x19e: {  	v15 =	vmin.f32 v0, v18;
	v18 =	vmin.f32 v2, v5;
	v20 =	vmax.f32 v4, v1  }
0x19f: {  	v3 =	vmin.f32 v18, v14;
	v0 =	vmin.f32 v4, v1;
	v4 =	vmax.f32 v21, v20  }
0x1a0: {  	v11 =	vmax.f32 v16, v11;
	v16 =	vmax.f32 v2, v5;
	v14 =	vmax.f32 v18, v14  }
0x1a1: {  	v11 =	vmin.f32 v15, v11;
	v18 =	vmax.f32 v6, v10;
	v2 =	vmin.f32 v21, v20  }
0x1a2: {  	v6 =	vmin.f32 v6, v10;
	v10 =	vmax.f32 v18, v13;
	v5 =	vmax.f32 v3, v4  }
0x1a3: {  	v11 =	vmin.f32 v11, v16;
	v15 =	vmax.f32 v17, v6;
	v6 =	vmin.f32 v17, v6  }
0x1a4: {  	v16 =	vmax.f32 v12, v6;
	v12 =	vmin.f32 v12, v6;
	v6 =	vmin.f32 v18, v13  }
0x1a5: {  	v13 =	vmax.f32 v15, v6;
	v15 =	vmin.f32 v15, v6;
	v6 =	vmin.f32 v11, v14  }
0x1a6: {  	v8 =	vmax.f32 v8, v12;
	v11 =	vmax.f32 v10, v7;
	v10 =	vmin.f32 v10, v7  }
0x1a7: {  	v12 =	vmax.f32 v16, v15;
	v14 =	vmin.f32 v16, v15;
	v15 =	vmax.f32 v11, v19  }
.Ltmp3:
0x1a8: {  	v16 =	vmin.f32 v13, v10;
	v7 =	vmax.f32 v15, v9;
	v15 =	vmin.f32 v15, v9;
	(pc) =	sbr.rel @p0 .LBB2_8-.Ltmp3, $4  }
0x1a9: {  	v11 =	vmin.f32 v11, v19;
	v9 =	vmax.f32 v13, v10;
	v10 =	vmax.f32 v12, v16  }
0x1aa: {  	v8 =	vmax.f32 v8, v14;
	v13 =	vmax.f32 v9, v11;
	v11 =	vmin.f32 v9, v11  }
0x1ab: {  	v12 =	vmin.f32 v12, v16;
	v9 =	vmax.f32 v10, v11;
	v11 =	vmin.f32 v10, v11  }
0x1ac: {  	s18 =	sadd.s32 $0x80, s18;
	v12 =	vmax.f32 v8, v12;
	v8 =	vmax.f32 v13, v15;
	v10 =	vmin.f32 v13, v15  }
0x1ad: {  	v13 =	vmax.f32 v7, v1;
	v11 =	vmax.f32 v12, v11;
	v49 =	vmin.f32 v7, v1  }
0x1ae: {  	v50 =	vmax.f32 v9, v10;
	v51 =	vmin.f32 v9, v10;
	v52 =	vmin.f32 v8, v49  }
0x1af: {  	v9 =	vmax.f32 v11, v51;
	v1 =	vmax.f32 v8, v49;
	(xrf1) =	vsort.dscd.msk.f32 $0xffff, v13, v13  }
0x1b0: {  	v53 =	vmax.f32 v50, v52;
	v7 =	vmin.f32 v50, v52;
	(xrf1) =	vsort.ascd.msk.f32 $0xffff, v1, v1  }
0x1b1: {  	v54 =	vmax.f32 v9, v7;
	(xrf1) =	vsort.dscd.msk.f32 $0xffff, v53, v53  }
0x1b2: {  	(xrf1) =	vsort.ascd.msk.f32 $0xffff, v54, v54;
	_ =	sdelay $0xa  }
0x1b3: {  	v55, _, _ =	vpop (xrf1)  }
0x1b4: {  	v56, _, _ =	vpop (xrf1)  }
0x1b5: {  	v8, _, _ =	vpop (xrf1)  }
0x1b6: {  	v1 =	vmax.f32 v55, v56;
	v57, _, _ =	vpop (xrf1)  }
0x1b7: {  	(xrf1) =	vsort.dscd.msk.f32 $0xffff, v1, v1;
	v7 =	vmax.f32 v8, v57  }
0x1b8: {  	(xrf1) =	vsort.ascd.msk.f32 $0xffff, v7, v7;
	_ =	sdelay $0xc  }
0x1b9: {  	v1, _, _ =	vpop (xrf1)  }
0x1ba: {  	v7, _, _ =	vpop (xrf1)  }
0x1bb: {  	v1 =	vmax.f32 v1, v7  }
0x1bc: {  	(xrf1) =	vsort.dscd.msk.f32 $0xffff, v1, v1  }
0x1bd: {  	(xrf1) =	vsort.ascd.msk.f32 $0xffff, v0, v0  }
0x1be: {  	v58 =	vmin.f32 v3, v4;
	(xrf1) =	vsort.dscd.msk.f32 $0xffff, v2, v2  }
0x1bf: {  	v59 =	vmin.f32 v6, v5;
	(xrf1) =	vsort.ascd.msk.f32 $0xffff, v58, v58  }
0x1c0: {  	(xrf1) =	vsort.dscd.msk.f32 $0xffff, v59, v59;
	_ =	sdelay $0x9  }
0x1c1: {  	v60, _, _ =	vpop (xrf1)  }
0x1c2: {  	v61, _, _ =	vpop (xrf1)  }
0x1c3: {  	v2, _, _ =	vpop (xrf1)  }
0x1c4: {  	v62, _, _ =	vpop (xrf1)  }
0x1c5: {  	v1 =	vmin.f32 v61, v2;
	v63, _, _ =	vpop (xrf1)  }
0x1c6: {  	(xrf1) =	vsort.ascd.msk.f32 $0xffff, v1, v1;
	v2 =	vmin.f32 v62, v63  }
0x1c7: {  	(xrf1) =	vsort.dscd.msk.f32 $0xffff, v2, v2;
	_ =	sdelay $0xc  }
0x1c8: {  	v1, _, _ =	vpop (xrf1)  }
0x1c9: {  	v2, _, _ =	vpop (xrf1)  }
0x1ca: {  	v1 =	vmin.f32 v1, v2  }
0x1cb: {  	(xrf1) =	vsort.ascd.msk.f32 $0xffff, v1, v1;
	_ =	sdelay $0xd  }
0x1cc: {  	v1, _, _ =	vpop (xrf1)  }
0x1cd: {  	s16 =	sadd.s32 $0x1, s16;
	v0 =	vadd.f32 v1, v60  }
0x1ce: {  	p0 =	sne.s32 s16, s8  }
.Ltmp4:
0x1cf: {  	[tilespmem:$0x10180] =	vst v0;
	(pc) =	sbr.rel @p0 .LBB2_1-.Ltmp4, $4  }
0x1d0: {  	[hbm4b:s7+s2] =	stream.linear.scatter [tilespmem:s14], [sflag:$0x3], $0x200, $0x38;
	[tilespmem:$0x10200] =	vst v63  }
0x1d1: {  	_ =	swait.ge [sflag:s15], $0x200  }
0x1d2: {  	[sflag:s15] =	ssyncset.done $0x0  }
0x1d3: {  	[sflag:s15] =	ssyncadd.s32 $0xFFFFFE00  }
0x1d4: {  	_ =	sfence.sel $0x180000  }
0x1d5: {  	[bflag:$0x0] =	sbarrier.arrive $0xFFFF  }
0x1d6: {  	p0 =	sne.s32 s1, $0x0;
	_ =	strace $0x90000047  }
0x1d7: {  	s0 =	sadd.s32 @!p0 $0x100000, s0;
	[bflag:$0x2] =	sbarrier.arrive $0xFFFF  }
0x1d8: {  	[sflag:s0] =	ssyncadd.tile.s32 @!p0 $0x1;
	_ =	shalt  }
.Lfunc_end2:
_tile_overlayer_lowered:
.L_overlay_start_2:
0x1d9: {  	(tag) =	ssettag $0x2  }
0x1da: {  	s0 =	rddreg [dreg:$0x0];
	s2 =	stileid.u32  }
0x1db: {  	s1 =	rddreg [dreg:$0x1];
	p0 =	sne.s32 s2, $0x0  }
0x1dc: {  	s3 =	rddreg [dreg:$0x2];
	[bflag:$0x3] =	sbarrier.arrive $0xFFFF;
	s2 =	simm.s32 @!p0 $0x1C03  }
0x1dd: {  	[timem:s3], [sflag:s2] =	dma.local @!p0 [hbm:s0], s1  }
0x1de: {  	s0 =	simm.s32 @!p0 $0x3  }
0x1df: {  	_ =	swait.ge @!p0 [sflag:s0], s1  }
0x1e0: {  	s1 =	ssub.s32 @!p0 $0x0, s1;
	[sflag:s0] =	ssyncset.done @!p0 $0x0  }
0x1e1: {  	[sflag:s0] =	ssyncadd.s32 @!p0 s1  }
0x1e2: {  	[bflag:$0x3] =	sbarrier.arrive $0xFFFF  }
0x1e3: {  	_ =	shalt  }

</sc_bundles>
